<compile_context>
chip_gen: v7x
topology: tpu7x:2x2x1
jax: 0.10.2.dev20260603
libtpu: 0.0.44.dev20260713+nightly
codegen_flags: <defaults>
</compile_context>

<pallas_src>
import functools

import jax
import jax.numpy as jnp
from jax import lax
from jax.experimental import pallas as pl
from jax.experimental.pallas import tpu as pltpu
from jax.experimental.pallas import tpu_sc as plsc

EMBED = 64
BATCH = 4096
SEQ = 200

NUM_CORES = 2
NUM_SUBCORES = 16
NUM_WORKERS = NUM_CORES * NUM_SUBCORES
BPW = BATCH // NUM_WORKERS

CHUNKS = ((0, 104), (104, 96))
TW = 128
EV = EMBED // 16
UNROLL = 8
assert SEQ % UNROLL == 0


def _sc_pooled_sums(x, table):
    mesh = plsc.VectorSubcoreMesh(
        core_axis_name="c", subcore_axis_name="s", num_cores=NUM_CORES
    )

    @functools.partial(
        pl.kernel,
        mesh=mesh,
        compiler_params=pltpu.CompilerParams(use_tc_tiling_on_sc=False),
        out_type=jax.ShapeDtypeStruct((BATCH, EMBED), jnp.float32),
        scratch_types=[
            pltpu.VMEM((BPW, SEQ), jnp.int32),
            pltpu.VMEM((SEQ, EMBED), jnp.float32),
            pltpu.VMEM((SEQ, EMBED), jnp.float32),
            pltpu.VMEM((BPW, EMBED), jnp.float32),
            pltpu.SemaphoreType.DMA,
            pltpu.SemaphoreType.DMA,
        ],
    )
    def k(x_hbm, table_hbm, out_hbm, idx_v, buf0, buf1, pooled, sem0, sem1):
        wid = lax.axis_index("s") * NUM_CORES + lax.axis_index("c")
        base = wid * BPW
        pltpu.sync_copy(x_hbm.at[pl.ds(base, BPW)], idx_v)

        def issue(b, buf, sem):
            for off, ln in CHUNKS:
                pltpu.async_copy(
                    table_hbm.at[idx_v.at[b, pl.ds(off, ln)]],
                    buf.at[pl.ds(off, ln)],
                    sem,
                )

        def wait(buf, sem):
            pltpu.make_async_copy(
                table_hbm.at[idx_v.at[0]], buf, sem
            ).wait()

        def compute(b, buf):
            def body(i, acc):
                accs = list(acc)
                for u in range(UNROLL):
                    s = i * UNROLL + u
                    for e in range(EV):
                        v = buf[s, pl.ds(e * 16, 16)]
                        accs[e] = accs[e] + jnp.maximum(v, 0.01 * v)
                return tuple(accs)

            zero = jnp.zeros((16,), jnp.float32)
            acc = lax.fori_loop(0, SEQ // UNROLL, body, (zero,) * EV)
            for e in range(EV):
                pooled[b, pl.ds(e * 16, 16)] = acc[e]

        issue(0, buf0, sem0)

        def step(j, carry):
            b = 2 * j
            issue(b + 1, buf1, sem1)
            wait(buf0, sem0)
            compute(b, buf0)
            issue(b + 2, buf0, sem0)
            wait(buf1, sem1)
            compute(b + 1, buf1)
            return carry

        lax.fori_loop(0, BPW // 2 - 1, step, 0)
        issue(BPW - 1, buf1, sem1)
        wait(buf0, sem0)
        compute(BPW - 2, buf0)
        wait(buf1, sem1)
        compute(BPW - 1, buf1)
        pltpu.sync_copy(pooled, out_hbm.at[pl.ds(base, BPW)])

    return k(x, table)


def _tc_mlp(sums, W1, b1, W2, b2):
    def body(s_ref, w1_ref, b1_ref, w2_ref, b2_ref, o_ref):
        pooled = s_ref[...] * (1.0 / SEQ)
        h = lax.dot_general(
            pooled, w1_ref[...], (((1,), (1,)), ((), ())),
            preferred_element_type=jnp.float32,
        ) + b1_ref[...]
        h = jnp.where(h >= 0, h, 0.01 * h)
        logit = jnp.sum(h * w2_ref[...], axis=1, keepdims=True) + b2_ref[0, 0]
        o_ref[...] = jax.nn.sigmoid(logit)

    out = pl.pallas_call(
        body,
        out_shape=jax.ShapeDtypeStruct((BATCH, 1), jnp.float32),
    )(sums, W1, b1, W2, b2.reshape(1, 1))
    return jnp.squeeze(out, -1)


def kernel(x, table, W1, b1, W2, b2):
    x = x.astype(jnp.int32)
    sums = _sc_pooled_sums(x, table)
    return _tc_mlp(sums, W1, b1, W2, b2)

# --- scband reference (transcript-rebuilt; emitter-appended) ---
"""Pipeline reference for scband-movie-review-clf-22170621182584 (READ-ONLY COPY).

The authoritative reference and input builder live on the scoring server;
editing this copy changes nothing except your own understanding.
"""

import jax, jax.numpy as jnp
import numpy as np

VOCAB = 1000000
EMBED = 64
HIDDEN = 128
BATCH = 4096
SEQ = 200


def leaky_relu(v, slope=0.01):
    return jnp.where(v >= 0, v, slope * v)


def setup_inputs(seed: int = 0) -> dict:
    key = jax.random.key(seed)
    k1, k2, k3, k4 = jax.random.split(key, 4)
    x = jax.random.randint(k1, (BATCH, SEQ), 0, VOCAB, dtype=jnp.int64 if jax.config.jax_enable_x64 else jnp.int32)
    table = jax.random.normal(k2, (VOCAB, EMBED), dtype=jnp.float32) * 0.02
    W1 = jax.random.normal(k3, (HIDDEN, EMBED), dtype=jnp.float32) * 0.05
    b1 = jnp.zeros((HIDDEN,), dtype=jnp.float32)
    W2 = jax.random.normal(k4, (1, HIDDEN), dtype=jnp.float32) * 0.05
    b2 = jnp.zeros((1,), dtype=jnp.float32)
    return {"x": x, "table": table, "W1": W1, "b1": b1, "W2": W2, "b2": b2}


def reference(x, table, W1, b1, W2, b2):
    # embedding lookup (gather)
    embedded = jnp.take(table, x, axis=0)            # [B, S, E]
    embedded = leaky_relu(embedded)
    pooled = jnp.mean(embedded, axis=1)              # [B, E]
    fc1_out = leaky_relu(pooled @ W1.T + b1)         # [B, H]
    fc2_out = jax.nn.sigmoid(fc1_out @ W2.T + b2)    # [B, 1]
    return jnp.squeeze(fc2_out, axis=-1)             # [B]

if __name__ == "__main__":
    import jax
    _d = setup_inputs()
    print(jax.jit(kernel)(*tuple(_d.values())))

</pallas_src>

<mosaic_0001>
#map = affine_map<(d0, d1) -> (0, 0)>
module attributes {stable_mosaic.version = 14 : i64} {
  func.func @k(%arg0: i32, %arg1: i32, %arg2: memref<4096x200xi32, #tpu.memory_space<hbm>>, %arg3: memref<1000000x64xf32, #tpu.memory_space<hbm>>, %arg4: memref<4096x64xf32, #tpu.memory_space<hbm>>, %arg5: memref<128x200xi32, #tpu.memory_space<vmem>>, %arg6: memref<200x64xf32, #tpu.memory_space<vmem>>, %arg7: memref<200x64xf32, #tpu.memory_space<vmem>>, %arg8: memref<128x64xf32, #tpu.memory_space<vmem>>, %arg9: memref<!tpu.dma_semaphore, #tpu.memory_space<semaphore_mem>>, %arg10: memref<!tpu.dma_semaphore, #tpu.memory_space<semaphore_mem>>) attributes {dimension_semantics = [#tpu.dimension_semantics<core_parallel>, #tpu.dimension_semantics<subcore_parallel>], iteration_bounds = array<i64: 2, 16>, scalar_prefetch = 0 : i64, scratch_operands = 6 : i64, tpu.core_type = #tpu.core_type<sc_vector_subcore>, window_params = [{transform_indices = #map}, {transform_indices = #map}, {transform_indices = #map}]} {
    %mul3A = arith.constant 2 : i32
    %mul3A_0 = arith.muli %arg1, %mul3A : i32
    %add3A = arith.addi %mul3A_0, %arg0 : i32
    %mul3A_1 = arith.constant 128 : i32
    %mul3A_2 = arith.muli %add3A, %mul3A_1 : i32
    "tpu.region"() ({
      %run_scoped3A = tpu.sem_alloc : memref<!tpu.dma_semaphore, #tpu.memory_space<semaphore_mem>>
      %dma_start3A_122 = arith.constant 0 : i32
      %dma_start3A_123 = tpu.memref_slice %arg2[%mul3A_2, %dma_start3A_122] : memref<4096x200xi32, #tpu.memory_space<hbm>> -> memref<128x200xi32, #tpu.memory_space<hbm>>
      %dma_start3A_124 = arith.constant 0 : i32
      %dma_start3A_125 = tpu.memref_slice %arg2[%mul3A_2, %dma_start3A_124] : memref<4096x200xi32, #tpu.memory_space<hbm>> -> memref<128x200xi32, #tpu.memory_space<hbm>>
      tpu.enqueue_dma source(%dma_start3A_125 : memref<128x200xi32, #tpu.memory_space<hbm>>) target(%arg5 : memref<128x200xi32, #tpu.memory_space<vmem>>) target_semaphore(%run_scoped3A : memref<!tpu.dma_semaphore, #tpu.memory_space<semaphore_mem>>)
      %dma_wait3A_126 = arith.constant 0 : i32
      %dma_wait3A_127 = tpu.memref_slice %arg2[%mul3A_2, %dma_wait3A_126] : memref<4096x200xi32, #tpu.memory_space<hbm>> -> memref<128x200xi32, #tpu.memory_space<hbm>>
      %dma_wait3A_128 = arith.constant 0 : i32
      %dma_wait3A_129 = tpu.memref_slice %arg2[%mul3A_2, %dma_wait3A_128] : memref<4096x200xi32, #tpu.memory_space<hbm>> -> memref<128x200xi32, #tpu.memory_space<hbm>>
      tpu.wait_dma2 semaphore(%run_scoped3A : memref<!tpu.dma_semaphore, #tpu.memory_space<semaphore_mem>>) src(%dma_wait3A_129 : memref<128x200xi32, #tpu.memory_space<hbm>>) dst(%arg5 : memref<128x200xi32, #tpu.memory_space<vmem>>)
      tpu.yield
    }) : () -> ()
    %dma_start3A = arith.constant 0 : i32
    %dma_start3A_3 = arith.constant 0 : i32
    %dma_start3A_4 = arith.constant 0 : i32
    %dma_start3A_5 = tpu.memref_slice %arg6[%dma_start3A_3, %dma_start3A_4] : memref<200x64xf32, #tpu.memory_space<vmem>> -> memref<104x64xf32, #tpu.memory_space<vmem>>
    %dma_start3A_6 = arith.constant 0 : i32
    %dma_start3A_7 = tpu.memref_slice %arg5[%dma_start3A, %dma_start3A_6] : memref<128x200xi32, #tpu.memory_space<vmem>> -> memref<1x104xi32, #tpu.memory_space<vmem>>
    %dma_start3A_8 = tpu.memref_squeeze %dma_start3A_7 : memref<1x104xi32, #tpu.memory_space<vmem>> -> memref<104xi32, #tpu.memory_space<vmem>>
    %dma_start3A_9 = arith.constant 0 : i32
    %dma_start3A_10 = arith.constant 0 : i32
    %dma_start3A_11 = tpu.memref_slice %arg3[%dma_start3A_9, %dma_start3A_10] : memref<1000000x64xf32, #tpu.memory_space<hbm>> -> memref<1000000x64xf32, #tpu.memory_space<hbm>>
    tpu.enqueue_indirect_dma source(%dma_start3A_11 : memref<1000000x64xf32, #tpu.memory_space<hbm>>) target(%dma_start3A_5 : memref<104x64xf32, #tpu.memory_space<vmem>>) offsets(%dma_start3A_8 : memref<104xi32, #tpu.memory_space<vmem>>) semaphore(%arg9 : memref<!tpu.dma_semaphore, #tpu.memory_space<semaphore_mem>>)
    %dma_start3A_12 = arith.constant 0 : i32
    %dma_start3A_13 = arith.constant 104 : i32
    %dma_start3A_14 = arith.constant 0 : i32
    %dma_start3A_15 = tpu.memref_slice %arg6[%dma_start3A_13, %dma_start3A_14] : memref<200x64xf32, #tpu.memory_space<vmem>> -> memref<96x64xf32, #tpu.memory_space<vmem>>
    %dma_start3A_16 = arith.constant 104 : i32
    %dma_start3A_17 = tpu.memref_slice %arg5[%dma_start3A_12, %dma_start3A_16] : memref<128x200xi32, #tpu.memory_space<vmem>> -> memref<1x96xi32, #tpu.memory_space<vmem>>
    %dma_start3A_18 = tpu.memref_squeeze %dma_start3A_17 : memref<1x96xi32, #tpu.memory_space<vmem>> -> memref<96xi32, #tpu.memory_space<vmem>>
    %dma_start3A_19 = arith.constant 0 : i32
    %dma_start3A_20 = arith.constant 0 : i32
    %dma_start3A_21 = tpu.memref_slice %arg3[%dma_start3A_19, %dma_start3A_20] : memref<1000000x64xf32, #tpu.memory_space<hbm>> -> memref<1000000x64xf32, #tpu.memory_space<hbm>>
    tpu.enqueue_indirect_dma source(%dma_start3A_21 : memref<1000000x64xf32, #tpu.memory_space<hbm>>) target(%dma_start3A_15 : memref<96x64xf32, #tpu.memory_space<vmem>>) offsets(%dma_start3A_18 : memref<96xi32, #tpu.memory_space<vmem>>) semaphore(%arg9 : memref<!tpu.dma_semaphore, #tpu.memory_space<semaphore_mem>>)
    %scan3A = arith.constant 0 : i32
    %scan3A_22 = arith.constant 0 : i32
    %scan3A_23 = arith.constant 63 : i32
    %scan3A_24 = arith.addi %scan3A_22, %scan3A_23 : i32
    %scan3A_25 = arith.constant 1 : i32
    scf.for %scan3A_122 = %scan3A_22 to %scan3A_24 step %scan3A_25  : i32 {
      %mul3A_123 = arith.constant 2 : i32
      %mul3A_124 = arith.muli %mul3A_123, %scan3A_122 : i32
      %add3A_125 = arith.constant 1 : i32
      %add3A_126 = arith.addi %mul3A_124, %add3A_125 : i32
      %dma_start3A_127 = arith.constant 0 : i32
      %dma_start3A_128 = arith.constant 0 : i32
      %dma_start3A_129 = tpu.memref_slice %arg7[%dma_start3A_127, %dma_start3A_128] : memref<200x64xf32, #tpu.memory_space<vmem>> -> memref<104x64xf32, #tpu.memory_space<vmem>>
      %dma_start3A_130 = arith.constant 0 : i32
      %dma_start3A_131 = tpu.memref_slice %arg5[%add3A_126, %dma_start3A_130] : memref<128x200xi32, #tpu.memory_space<vmem>> -> memref<1x104xi32, #tpu.memory_space<vmem>>
      %dma_start3A_132 = tpu.memref_squeeze %dma_start3A_131 : memref<1x104xi32, #tpu.memory_space<vmem>> -> memref<104xi32, #tpu.memory_space<vmem>>
      %dma_start3A_133 = arith.constant 0 : i32
      %dma_start3A_134 = arith.constant 0 : i32
      %dma_start3A_135 = tpu.memref_slice %arg3[%dma_start3A_133, %dma_start3A_134] : memref<1000000x64xf32, #tpu.memory_space<hbm>> -> memref<1000000x64xf32, #tpu.memory_space<hbm>>
      tpu.enqueue_indirect_dma source(%dma_start3A_135 : memref<1000000x64xf32, #tpu.memory_space<hbm>>) target(%dma_start3A_129 : memref<104x64xf32, #tpu.memory_space<vmem>>) offsets(%dma_start3A_132 : memref<104xi32, #tpu.memory_space<vmem>>) semaphore(%arg10 : memref<!tpu.dma_semaphore, #tpu.memory_space<semaphore_mem>>)
      %dma_start3A_136 = arith.constant 104 : i32
      %dma_start3A_137 = arith.constant 0 : i32
      %dma_start3A_138 = tpu.memref_slice %arg7[%dma_start3A_136, %dma_start3A_137] : memref<200x64xf32, #tpu.memory_space<vmem>> -> memref<96x64xf32, #tpu.memory_space<vmem>>
      %dma_start3A_139 = arith.constant 104 : i32
      %dma_start3A_140 = tpu.memref_slice %arg5[%add3A_126, %dma_start3A_139] : memref<128x200xi32, #tpu.memory_space<vmem>> -> memref<1x96xi32, #tpu.memory_space<vmem>>
      %dma_start3A_141 = tpu.memref_squeeze %dma_start3A_140 : memref<1x96xi32, #tpu.memory_space<vmem>> -> memref<96xi32, #tpu.memory_space<vmem>>
      %dma_start3A_142 = arith.constant 0 : i32
      %dma_start3A_143 = arith.constant 0 : i32
      %dma_start3A_144 = tpu.memref_slice %arg3[%dma_start3A_142, %dma_start3A_143] : memref<1000000x64xf32, #tpu.memory_space<hbm>> -> memref<1000000x64xf32, #tpu.memory_space<hbm>>
      tpu.enqueue_indirect_dma source(%dma_start3A_144 : memref<1000000x64xf32, #tpu.memory_space<hbm>>) target(%dma_start3A_138 : memref<96x64xf32, #tpu.memory_space<vmem>>) offsets(%dma_start3A_141 : memref<96xi32, #tpu.memory_space<vmem>>) semaphore(%arg10 : memref<!tpu.dma_semaphore, #tpu.memory_space<semaphore_mem>>)
      %dma_wait3A_145 = arith.constant 0 : i32
      %dma_wait3A_146 = arith.constant 0 : i32
      %dma_wait3A_147 = tpu.memref_slice %arg5[%dma_wait3A_145, %dma_wait3A_146] : memref<128x200xi32, #tpu.memory_space<vmem>> -> memref<1x200xi32, #tpu.memory_space<vmem>>
      %dma_wait3A_148 = tpu.memref_squeeze %dma_wait3A_147 : memref<1x200xi32, #tpu.memory_space<vmem>> -> memref<200xi32, #tpu.memory_space<vmem>>
      %dma_wait3A_149 = arith.constant 0 : i32
      %dma_wait3A_150 = arith.constant 0 : i32
      %dma_wait3A_151 = tpu.memref_slice %arg3[%dma_wait3A_149, %dma_wait3A_150] : memref<1000000x64xf32, #tpu.memory_space<hbm>> -> memref<1000000x64xf32, #tpu.memory_space<hbm>>
      tpu.wait_indirect_dma semaphore(%arg9 : memref<!tpu.dma_semaphore, #tpu.memory_space<semaphore_mem>>) src(%dma_wait3A_151 : memref<1000000x64xf32, #tpu.memory_space<hbm>>) dst(%arg6 : memref<200x64xf32, #tpu.memory_space<vmem>>)
      %broadcast_in_dim3A_152 = arith.constant 0.000000e+00 : f32
      %broadcast_in_dim3A_153 = vector.broadcast %broadcast_in_dim3A_152 : f32 to vector<16xf32>
      %scan3A_154 = arith.constant 0 : i32
      %scan3A_155 = arith.constant 25 : i32
      %scan3A_156 = arith.addi %scan3A_154, %scan3A_155 : i32
      %scan3A_157 = arith.constant 1 : i32
      %scan3A_158:4 = scf.for %scan3A_237 = %scan3A_154 to %scan3A_156 step %scan3A_157 iter_args(%scan3A_238 = %broadcast_in_dim3A_153, %scan3A_239 = %broadcast_in_dim3A_153, %scan3A_240 = %broadcast_in_dim3A_153, %scan3A_241 = %broadcast_in_dim3A_153) -> (vector<16xf32>, vector<16xf32>, vector<16xf32>, vector<16xf32>)  : i32 {
        %mul3A_242 = arith.constant 8 : i32
        %mul3A_243 = arith.muli %scan3A_237, %mul3A_242 : i32
        %add3A_244 = arith.constant 0 : i32
        %add3A_245 = arith.addi %mul3A_243, %add3A_244 : i32
        %get3A = arith.index_cast %add3A_245 : i32 to index
        %get3A_246 = arith.constant 0 : index
        %get3A_247 = tpu.vector_load %arg6[%get3A, %get3A_246] {strides = array<i32>} : memref<200x64xf32, #tpu.memory_space<vmem>>, vector<1x16xf32>,
        %get3A_248 = vector.shape_cast %get3A_247 : vector<1x16xf32> to vector<16xf32>
        %mul3A_249 = arith.constant 0.00999999977 : f32
        %mul3A_250 = vector.broadcast %mul3A_249 : f32 to vector<16xf32>
        %mul3A_251 = arith.mulf %mul3A_250, %get3A_248 : vector<16xf32>
        %max3A = arith.maximumf %get3A_248, %mul3A_251 : vector<16xf32>
        %add3A_252 = arith.addf %scan3A_238, %max3A : vector<16xf32>
        %get3A_253 = arith.index_cast %add3A_245 : i32 to index
        %get3A_254 = arith.constant 16 : index
        %get3A_255 = tpu.vector_load %arg6[%get3A_253, %get3A_254] {strides = array<i32>} : memref<200x64xf32, #tpu.memory_space<vmem>>, vector<1x16xf32>,
        %get3A_256 = vector.shape_cast %get3A_255 : vector<1x16xf32> to vector<16xf32>
        %mul3A_257 = arith.constant 0.00999999977 : f32
        %mul3A_258 = vector.broadcast %mul3A_257 : f32 to vector<16xf32>
        %mul3A_259 = arith.mulf %mul3A_258, %get3A_256 : vector<16xf32>
        %max3A_260 = arith.maximumf %get3A_256, %mul3A_259 : vector<16xf32>
        %add3A_261 = arith.addf %scan3A_239, %max3A_260 : vector<16xf32>
        %get3A_262 = arith.index_cast %add3A_245 : i32 to index
        %get3A_263 = arith.constant 32 : index
        %get3A_264 = tpu.vector_load %arg6[%get3A_262, %get3A_263] {strides = array<i32>} : memref<200x64xf32, #tpu.memory_space<vmem>>, vector<1x16xf32>,
        %get3A_265 = vector.shape_cast %get3A_264 : vector<1x16xf32> to vector<16xf32>
        %mul3A_266 = arith.constant 0.00999999977 : f32
        %mul3A_267 = vector.broadcast %mul3A_266 : f32 to vector<16xf32>
        %mul3A_268 = arith.mulf %mul3A_267, %get3A_265 : vector<16xf32>
        %max3A_269 = arith.maximumf %get3A_265, %mul3A_268 : vector<16xf32>
        %add3A_270 = arith.addf %scan3A_240, %max3A_269 : vector<16xf32>
        %get3A_271 = arith.index_cast %add3A_245 : i32 to index
        %get3A_272 = arith.constant 48 : index
        %get3A_273 = tpu.vector_load %arg6[%get3A_271, %get3A_272] {strides = array<i32>} : memref<200x64xf32, #tpu.memory_space<vmem>>, vector<1x16xf32>,
        %get3A_274 = vector.shape_cast %get3A_273 : vector<1x16xf32> to vector<16xf32>
        %mul3A_275 = arith.constant 0.00999999977 : f32
        %mul3A_276 = vector.broadcast %mul3A_275 : f32 to vector<16xf32>
        %mul3A_277 = arith.mulf %mul3A_276, %get3A_274 : vector<16xf32>
        %max3A_278 = arith.maximumf %get3A_274, %mul3A_277 : vector<16xf32>
        %add3A_279 = arith.addf %scan3A_241, %max3A_278 : vector<16xf32>
        %mul3A_280 = arith.constant 8 : i32
        %mul3A_281 = arith.muli %scan3A_237, %mul3A_280 : i32
        %add3A_282 = arith.constant 1 : i32
        %add3A_283 = arith.addi %mul3A_281, %add3A_282 : i32
        %get3A_284 = arith.index_cast %add3A_283 : i32 to index
        %get3A_285 = arith.constant 0 : index
        %get3A_286 = tpu.vector_load %arg6[%get3A_284, %get3A_285] {strides = array<i32>} : memref<200x64xf32, #tpu.memory_space<vmem>>, vector<1x16xf32>,
        %get3A_287 = vector.shape_cast %get3A_286 : vector<1x16xf32> to vector<16xf32>
        %mul3A_288 = arith.constant 0.00999999977 : f32
        %mul3A_289 = vector.broadcast %mul3A_288 : f32 to vector<16xf32>
        %mul3A_290 = arith.mulf %mul3A_289, %get3A_287 : vector<16xf32>
        %max3A_291 = arith.maximumf %get3A_287, %mul3A_290 : vector<16xf32>
        %add3A_292 = arith.addf %add3A_252, %max3A_291 : vector<16xf32>
        %get3A_293 = arith.index_cast %add3A_283 : i32 to index
        %get3A_294 = arith.constant 16 : index
        %get3A_295 = tpu.vector_load %arg6[%get3A_293, %get3A_294] {strides = array<i32>} : memref<200x64xf32, #tpu.memory_space<vmem>>, vector<1x16xf32>,
        %get3A_296 = vector.shape_cast %get3A_295 : vector<1x16xf32> to vector<16xf32>
        %mul3A_297 = arith.constant 0.00999999977 : f32
        %mul3A_298 = vector.broadcast %mul3A_297 : f32 to vector<16xf32>
        %mul3A_299 = arith.mulf %mul3A_298, %get3A_296 : vector<16xf32>
        %max3A_300 = arith.maximumf %get3A_296, %mul3A_299 : vector<16xf32>
        %add3A_301 = arith.addf %add3A_261, %max3A_300 : vector<16xf32>
        %get3A_302 = arith.index_cast %add3A_283 : i32 to index
        %get3A_303 = arith.constant 32 : index
        %get3A_304 = tpu.vector_load %arg6[%get3A_302, %get3A_303] {strides = array<i32>} : memref<200x64xf32, #tpu.memory_space<vmem>>, vector<1x16xf32>,
        %get3A_305 = vector.shape_cast %get3A_304 : vector<1x16xf32> to vector<16xf32>
        %mul3A_306 = arith.constant 0.00999999977 : f32
        %mul3A_307 = vector.broadcast %mul3A_306 : f32 to vector<16xf32>
        %mul3A_308 = arith.mulf %mul3A_307, %get3A_305 : vector<16xf32>
        %max3A_309 = arith.maximumf %get3A_305, %mul3A_308 : vector<16xf32>
        %add3A_310 = arith.addf %add3A_270, %max3A_309 : vector<16xf32>
        %get3A_311 = arith.index_cast %add3A_283 : i32 to index
        %get3A_312 = arith.constant 48 : index
        %get3A_313 = tpu.vector_load %arg6[%get3A_311, %get3A_312] {strides = array<i32>} : memref<200x64xf32, #tpu.memory_space<vmem>>, vector<1x16xf32>,
        %get3A_314 = vector.shape_cast %get3A_313 : vector<1x16xf32> to vector<16xf32>
        %mul3A_315 = arith.constant 0.00999999977 : f32
        %mul3A_316 = vector.broadcast %mul3A_315 : f32 to vector<16xf32>
        %mul3A_317 = arith.mulf %mul3A_316, %get3A_314 : vector<16xf32>
        %max3A_318 = arith.maximumf %get3A_314, %mul3A_317 : vector<16xf32>
        %add3A_319 = arith.addf %add3A_279, %max3A_318 : vector<16xf32>
        %mul3A_320 = arith.constant 8 : i32
        %mul3A_321 = arith.muli %scan3A_237, %mul3A_320 : i32
        %add3A_322 = arith.constant 2 : i32
        %add3A_323 = arith.addi %mul3A_321, %add3A_322 : i32
        %get3A_324 = arith.index_cast %add3A_323 : i32 to index
        %get3A_325 = arith.constant 0 : index
        %get3A_326 = tpu.vector_load %arg6[%get3A_324, %get3A_325] {strides = array<i32>} : memref<200x64xf32, #tpu.memory_space<vmem>>, vector<1x16xf32>,
        %get3A_327 = vector.shape_cast %get3A_326 : vector<1x16xf32> to vector<16xf32>
        %mul3A_328 = arith.constant 0.00999999977 : f32
        %mul3A_329 = vector.broadcast %mul3A_328 : f32 to vector<16xf32>
        %mul3A_330 = arith.mulf %mul3A_329, %get3A_327 : vector<16xf32>
        %max3A_331 = arith.maximumf %get3A_327, %mul3A_330 : vector<16xf32>
        %add3A_332 = arith.addf %add3A_292, %max3A_331 : vector<16xf32>
        %get3A_333 = arith.index_cast %add3A_323 : i32 to index
        %get3A_334 = arith.constant 16 : index
        %get3A_335 = tpu.vector_load %arg6[%get3A_333, %get3A_334] {strides = array<i32>} : memref<200x64xf32, #tpu.memory_space<vmem>>, vector<1x16xf32>,
        %get3A_336 = vector.shape_cast %get3A_335 : vector<1x16xf32> to vector<16xf32>
        %mul3A_337 = arith.constant 0.00999999977 : f32
        %mul3A_338 = vector.broadcast %mul3A_337 : f32 to vector<16xf32>
        %mul3A_339 = arith.mulf %mul3A_338, %get3A_336 : vector<16xf32>
        %max3A_340 = arith.maximumf %get3A_336, %mul3A_339 : vector<16xf32>
        %add3A_341 = arith.addf %add3A_301, %max3A_340 : vector<16xf32>
        %get3A_342 = arith.index_cast %add3A_323 : i32 to index
        %get3A_343 = arith.constant 32 : index
        %get3A_344 = tpu.vector_load %arg6[%get3A_342, %get3A_343] {strides = array<i32>} : memref<200x64xf32, #tpu.memory_space<vmem>>, vector<1x16xf32>,
        %get3A_345 = vector.shape_cast %get3A_344 : vector<1x16xf32> to vector<16xf32>
        %mul3A_346 = arith.constant 0.00999999977 : f32
        %mul3A_347 = vector.broadcast %mul3A_346 : f32 to vector<16xf32>
        %mul3A_348 = arith.mulf %mul3A_347, %get3A_345 : vector<16xf32>
        %max3A_349 = arith.maximumf %get3A_345, %mul3A_348 : vector<16xf32>
        %add3A_350 = arith.addf %add3A_310, %max3A_349 : vector<16xf32>
        %get3A_351 = arith.index_cast %add3A_323 : i32 to index
        %get3A_352 = arith.constant 48 : index
        %get3A_353 = tpu.vector_load %arg6[%get3A_351, %get3A_352] {strides = array<i32>} : memref<200x64xf32, #tpu.memory_space<vmem>>, vector<1x16xf32>,
        %get3A_354 = vector.shape_cast %get3A_353 : vector<1x16xf32> to vector<16xf32>
        %mul3A_355 = arith.constant 0.00999999977 : f32
        %mul3A_356 = vector.broadcast %mul3A_355 : f32 to vector<16xf32>
        %mul3A_357 = arith.mulf %mul3A_356, %get3A_354 : vector<16xf32>
        %max3A_358 = arith.maximumf %get3A_354, %mul3A_357 : vector<16xf32>
        %add3A_359 = arith.addf %add3A_319, %max3A_358 : vector<16xf32>
        %mul3A_360 = arith.constant 8 : i32
        %mul3A_361 = arith.muli %scan3A_237, %mul3A_360 : i32
        %add3A_362 = arith.constant 3 : i32
        %add3A_363 = arith.addi %mul3A_361, %add3A_362 : i32
        %get3A_364 = arith.index_cast %add3A_363 : i32 to index
        %get3A_365 = arith.constant 0 : index
        %get3A_366 = tpu.vector_load %arg6[%get3A_364, %get3A_365] {strides = array<i32>} : memref<200x64xf32, #tpu.memory_space<vmem>>, vector<1x16xf32>,
        %get3A_367 = vector.shape_cast %get3A_366 : vector<1x16xf32> to vector<16xf32>
        %mul3A_368 = arith.constant 0.00999999977 : f32
        %mul3A_369 = vector.broadcast %mul3A_368 : f32 to vector<16xf32>
        %mul3A_370 = arith.mulf %mul3A_369, %get3A_367 : vector<16xf32>
        %max3A_371 = arith.maximumf %get3A_367, %mul3A_370 : vector<16xf32>
        %add3A_372 = arith.addf %add3A_332, %max3A_371 : vector<16xf32>
        %get3A_373 = arith.index_cast %add3A_363 : i32 to index
        %get3A_374 = arith.constant 16 : index
        %get3A_375 = tpu.vector_load %arg6[%get3A_373, %get3A_374] {strides = array<i32>} : memref<200x64xf32, #tpu.memory_space<vmem>>, vector<1x16xf32>,
        %get3A_376 = vector.shape_cast %get3A_375 : vector<1x16xf32> to vector<16xf32>
        %mul3A_377 = arith.constant 0.00999999977 : f32
        %mul3A_378 = vector.broadcast %mul3A_377 : f32 to vector<16xf32>
        %mul3A_379 = arith.mulf %mul3A_378, %get3A_376 : vector<16xf32>
        %max3A_380 = arith.maximumf %get3A_376, %mul3A_379 : vector<16xf32>
        %add3A_381 = arith.addf %add3A_341, %max3A_380 : vector<16xf32>
        %get3A_382 = arith.index_cast %add3A_363 : i32 to index
        %get3A_383 = arith.constant 32 : index
        %get3A_384 = tpu.vector_load %arg6[%get3A_382, %get3A_383] {strides = array<i32>} : memref<200x64xf32, #tpu.memory_space<vmem>>, vector<1x16xf32>,
        %get3A_385 = vector.shape_cast %get3A_384 : vector<1x16xf32> to vector<16xf32>
        %mul3A_386 = arith.constant 0.00999999977 : f32
        %mul3A_387 = vector.broadcast %mul3A_386 : f32 to vector<16xf32>
        %mul3A_388 = arith.mulf %mul3A_387, %get3A_385 : vector<16xf32>
        %max3A_389 = arith.maximumf %get3A_385, %mul3A_388 : vector<16xf32>
        %add3A_390 = arith.addf %add3A_350, %max3A_389 : vector<16xf32>
        %get3A_391 = arith.index_cast %add3A_363 : i32 to index
        %get3A_392 = arith.constant 48 : index
        %get3A_393 = tpu.vector_load %arg6[%get3A_391, %get3A_392] {strides = array<i32>} : memref<200x64xf32, #tpu.memory_space<vmem>>, vector<1x16xf32>,
        %get3A_394 = vector.shape_cast %get3A_393 : vector<1x16xf32> to vector<16xf32>
        %mul3A_395 = arith.constant 0.00999999977 : f32
        %mul3A_396 = vector.broadcast %mul3A_395 : f32 to vector<16xf32>
        %mul3A_397 = arith.mulf %mul3A_396, %get3A_394 : vector<16xf32>
        %max3A_398 = arith.maximumf %get3A_394, %mul3A_397 : vector<16xf32>
        %add3A_399 = arith.addf %add3A_359, %max3A_398 : vector<16xf32>
        %mul3A_400 = arith.constant 8 : i32
        %mul3A_401 = arith.muli %scan3A_237, %mul3A_400 : i32
        %add3A_402 = arith.constant 4 : i32
        %add3A_403 = arith.addi %mul3A_401, %add3A_402 : i32
        %get3A_404 = arith.index_cast %add3A_403 : i32 to index
        %get3A_405 = arith.constant 0 : index
        %get3A_406 = tpu.vector_load %arg6[%get3A_404, %get3A_405] {strides = array<i32>} : memref<200x64xf32, #tpu.memory_space<vmem>>, vector<1x16xf32>,
        %get3A_407 = vector.shape_cast %get3A_406 : vector<1x16xf32> to vector<16xf32>
        %mul3A_408 = arith.constant 0.00999999977 : f32
        %mul3A_409 = vector.broadcast %mul3A_408 : f32 to vector<16xf32>
        %mul3A_410 = arith.mulf %mul3A_409, %get3A_407 : vector<16xf32>
        %max3A_411 = arith.maximumf %get3A_407, %mul3A_410 : vector<16xf32>
        %add3A_412 = arith.addf %add3A_372, %max3A_411 : vector<16xf32>
        %get3A_413 = arith.index_cast %add3A_403 : i32 to index
        %get3A_414 = arith.constant 16 : index
        %get3A_415 = tpu.vector_load %arg6[%get3A_413, %get3A_414] {strides = array<i32>} : memref<200x64xf32, #tpu.memory_space<vmem>>, vector<1x16xf32>,
        %get3A_416 = vector.shape_cast %get3A_415 : vector<1x16xf32> to vector<16xf32>
        %mul3A_417 = arith.constant 0.00999999977 : f32
        %mul3A_418 = vector.broadcast %mul3A_417 : f32 to vector<16xf32>
        %mul3A_419 = arith.mulf %mul3A_418, %get3A_416 : vector<16xf32>
        %max3A_420 = arith.maximumf %get3A_416, %mul3A_419 : vector<16xf32>
        %add3A_421 = arith.addf %add3A_381, %max3A_420 : vector<16xf32>
        %get3A_422 = arith.index_cast %add3A_403 : i32 to index
        %get3A_423 = arith.constant 32 : index
        %get3A_424 = tpu.vector_load %arg6[%get3A_422, %get3A_423] {strides = array<i32>} : memref<200x64xf32, #tpu.memory_space<vmem>>, vector<1x16xf32>,
        %get3A_425 = vector.shape_cast %get3A_424 : vector<1x16xf32> to vector<16xf32>
        %mul3A_426 = arith.constant 0.00999999977 : f32
        %mul3A_427 = vector.broadcast %mul3A_426 : f32 to vector<16xf32>
        %mul3A_428 = arith.mulf %mul3A_427, %get3A_425 : vector<16xf32>
        %max3A_429 = arith.maximumf %get3A_425, %mul3A_428 : vector<16xf32>
        %add3A_430 = arith.addf %add3A_390, %max3A_429 : vector<16xf32>
        %get3A_431 = arith.index_cast %add3A_403 : i32 to index
        %get3A_432 = arith.constant 48 : index
        %get3A_433 = tpu.vector_load %arg6[%get3A_431, %get3A_432] {strides = array<i32>} : memref<200x64xf32, #tpu.memory_space<vmem>>, vector<1x16xf32>,
        %get3A_434 = vector.shape_cast %get3A_433 : vector<1x16xf32> to vector<16xf32>
        %mul3A_435 = arith.constant 0.00999999977 : f32
        %mul3A_436 = vector.broadcast %mul3A_435 : f32 to vector<16xf32>
        %mul3A_437 = arith.mulf %mul3A_436, %get3A_434 : vector<16xf32>
        %max3A_438 = arith.maximumf %get3A_434, %mul3A_437 : vector<16xf32>
        %add3A_439 = arith.addf %add3A_399, %max3A_438 : vector<16xf32>
        %mul3A_440 = arith.constant 8 : i32
        %mul3A_441 = arith.muli %scan3A_237, %mul3A_440 : i32
        %add3A_442 = arith.constant 5 : i32
        %add3A_443 = arith.addi %mul3A_441, %add3A_442 : i32
        %get3A_444 = arith.index_cast %add3A_443 : i32 to index
        %get3A_445 = arith.constant 0 : index
        %get3A_446 = tpu.vector_load %arg6[%get3A_444, %get3A_445] {strides = array<i32>} : memref<200x64xf32, #tpu.memory_space<vmem>>, vector<1x16xf32>,
        %get3A_447 = vector.shape_cast %get3A_446 : vector<1x16xf32> to vector<16xf32>
        %mul3A_448 = arith.constant 0.00999999977 : f32
        %mul3A_449 = vector.broadcast %mul3A_448 : f32 to vector<16xf32>
        %mul3A_450 = arith.mulf %mul3A_449, %get3A_447 : vector<16xf32>
        %max3A_451 = arith.maximumf %get3A_447, %mul3A_450 : vector<16xf32>
        %add3A_452 = arith.addf %add3A_412, %max3A_451 : vector<16xf32>
        %get3A_453 = arith.index_cast %add3A_443 : i32 to index
        %get3A_454 = arith.constant 16 : index
        %get3A_455 = tpu.vector_load %arg6[%get3A_453, %get3A_454] {strides = array<i32>} : memref<200x64xf32, #tpu.memory_space<vmem>>, vector<1x16xf32>,
        %get3A_456 = vector.shape_cast %get3A_455 : vector<1x16xf32> to vector<16xf32>
        %mul3A_457 = arith.constant 0.00999999977 : f32
        %mul3A_458 = vector.broadcast %mul3A_457 : f32 to vector<16xf32>
        %mul3A_459 = arith.mulf %mul3A_458, %get3A_456 : vector<16xf32>
        %max3A_460 = arith.maximumf %get3A_456, %mul3A_459 : vector<16xf32>
        %add3A_461 = arith.addf %add3A_421, %max3A_460 : vector<16xf32>
        %get3A_462 = arith.index_cast %add3A_443 : i32 to index
        %get3A_463 = arith.constant 32 : index
        %get3A_464 = tpu.vector_load %arg6[%get3A_462, %get3A_463] {strides = array<i32>} : memref<200x64xf32, #tpu.memory_space<vmem>>, vector<1x16xf32>,
        %get3A_465 = vector.shape_cast %get3A_464 : vector<1x16xf32> to vector<16xf32>
        %mul3A_466 = arith.constant 0.00999999977 : f32
        %mul3A_467 = vector.broadcast %mul3A_466 : f32 to vector<16xf32>
        %mul3A_468 = arith.mulf %mul3A_467, %get3A_465 : vector<16xf32>
        %max3A_469 = arith.maximumf %get3A_465, %mul3A_468 : vector<16xf32>
        %add3A_470 = arith.addf %add3A_430, %max3A_469 : vector<16xf32>
        %get3A_471 = arith.index_cast %add3A_443 : i32 to index
        %get3A_472 = arith.constant 48 : index
        %get3A_473 = tpu.vector_load %arg6[%get3A_471, %get3A_472] {strides = array<i32>} : memref<200x64xf32, #tpu.memory_space<vmem>>, vector<1x16xf32>,
        %get3A_474 = vector.shape_cast %get3A_473 : vector<1x16xf32> to vector<16xf32>
        %mul3A_475 = arith.constant 0.00999999977 : f32
        %mul3A_476 = vector.broadcast %mul3A_475 : f32 to vector<16xf32>
        %mul3A_477 = arith.mulf %mul3A_476, %get3A_474 : vector<16xf32>
        %max3A_478 = arith.maximumf %get3A_474, %mul3A_477 : vector<16xf32>
        %add3A_479 = arith.addf %add3A_439, %max3A_478 : vector<16xf32>
        %mul3A_480 = arith.constant 8 : i32
        %mul3A_481 = arith.muli %scan3A_237, %mul3A_480 : i32
        %add3A_482 = arith.constant 6 : i32
        %add3A_483 = arith.addi %mul3A_481, %add3A_482 : i32
        %get3A_484 = arith.index_cast %add3A_483 : i32 to index
        %get3A_485 = arith.constant 0 : index
        %get3A_486 = tpu.vector_load %arg6[%get3A_484, %get3A_485] {strides = array<i32>} : memref<200x64xf32, #tpu.memory_space<vmem>>, vector<1x16xf32>,
        %get3A_487 = vector.shape_cast %get3A_486 : vector<1x16xf32> to vector<16xf32>
        %mul3A_488 = arith.constant 0.00999999977 : f32
        %mul3A_489 = vector.broadcast %mul3A_488 : f32 to vector<16xf32>
        %mul3A_490 = arith.mulf %mul3A_489, %get3A_487 : vector<16xf32>
        %max3A_491 = arith.maximumf %get3A_487, %mul3A_490 : vector<16xf32>
        %add3A_492 = arith.addf %add3A_452, %max3A_491 : vector<16xf32>
        %get3A_493 = arith.index_cast %add3A_483 : i32 to index
        %get3A_494 = arith.constant 16 : index
        %get3A_495 = tpu.vector_load %arg6[%get3A_493, %get3A_494] {strides = array<i32>} : memref<200x64xf32, #tpu.memory_space<vmem>>, vector<1x16xf32>,
        %get3A_496 = vector.shape_cast %get3A_495 : vector<1x16xf32> to vector<16xf32>
        %mul3A_497 = arith.constant 0.00999999977 : f32
        %mul3A_498 = vector.broadcast %mul3A_497 : f32 to vector<16xf32>
        %mul3A_499 = arith.mulf %mul3A_498, %get3A_496 : vector<16xf32>
        %max3A_500 = arith.maximumf %get3A_496, %mul3A_499 : vector<16xf32>
        %add3A_501 = arith.addf %add3A_461, %max3A_500 : vector<16xf32>
        %get3A_502 = arith.index_cast %add3A_483 : i32 to index
        %get3A_503 = arith.constant 32 : index
        %get3A_504 = tpu.vector_load %arg6[%get3A_502, %get3A_503] {strides = array<i32>} : memref<200x64xf32, #tpu.memory_space<vmem>>, vector<1x16xf32>,
        %get3A_505 = vector.shape_cast %get3A_504 : vector<1x16xf32> to vector<16xf32>
        %mul3A_506 = arith.constant 0.00999999977 : f32
        %mul3A_507 = vector.broadcast %mul3A_506 : f32 to vector<16xf32>
        %mul3A_508 = arith.mulf %mul3A_507, %get3A_505 : vector<16xf32>
        %max3A_509 = arith.maximumf %get3A_505, %mul3A_508 : vector<16xf32>
        %add3A_510 = arith.addf %add3A_470, %max3A_509 : vector<16xf32>
        %get3A_511 = arith.index_cast %add3A_483 : i32 to index
        %get3A_512 = arith.constant 48 : index
        %get3A_513 = tpu.vector_load %arg6[%get3A_511, %get3A_512] {strides = array<i32>} : memref<200x64xf32, #tpu.memory_space<vmem>>, vector<1x16xf32>,
        %get3A_514 = vector.shape_cast %get3A_513 : vector<1x16xf32> to vector<16xf32>
        %mul3A_515 = arith.constant 0.00999999977 : f32
        %mul3A_516 = vector.broadcast %mul3A_515 : f32 to vector<16xf32>
        %mul3A_517 = arith.mulf %mul3A_516, %get3A_514 : vector<16xf32>
        %max3A_518 = arith.maximumf %get3A_514, %mul3A_517 : vector<16xf32>
        %add3A_519 = arith.addf %add3A_479, %max3A_518 : vector<16xf32>
        %mul3A_520 = arith.constant 8 : i32
        %mul3A_521 = arith.muli %scan3A_237, %mul3A_520 : i32
        %add3A_522 = arith.constant 7 : i32
        %add3A_523 = arith.addi %mul3A_521, %add3A_522 : i32
        %get3A_524 = arith.index_cast %add3A_523 : i32 to index
        %get3A_525 = arith.constant 0 : index
        %get3A_526 = tpu.vector_load %arg6[%get3A_524, %get3A_525] {strides = array<i32>} : memref<200x64xf32, #tpu.memory_space<vmem>>, vector<1x16xf32>,
        %get3A_527 = vector.shape_cast %get3A_526 : vector<1x16xf32> to vector<16xf32>
        %mul3A_528 = arith.constant 0.00999999977 : f32
        %mul3A_529 = vector.broadcast %mul3A_528 : f32 to vector<16xf32>
        %mul3A_530 = arith.mulf %mul3A_529, %get3A_527 : vector<16xf32>
        %max3A_531 = arith.maximumf %get3A_527, %mul3A_530 : vector<16xf32>
        %add3A_532 = arith.addf %add3A_492, %max3A_531 : vector<16xf32>
        %get3A_533 = arith.index_cast %add3A_523 : i32 to index
        %get3A_534 = arith.constant 16 : index
        %get3A_535 = tpu.vector_load %arg6[%get3A_533, %get3A_534] {strides = array<i32>} : memref<200x64xf32, #tpu.memory_space<vmem>>, vector<1x16xf32>,
        %get3A_536 = vector.shape_cast %get3A_535 : vector<1x16xf32> to vector<16xf32>
        %mul3A_537 = arith.constant 0.00999999977 : f32
        %mul3A_538 = vector.broadcast %mul3A_537 : f32 to vector<16xf32>
        %mul3A_539 = arith.mulf %mul3A_538, %get3A_536 : vector<16xf32>
        %max3A_540 = arith.maximumf %get3A_536, %mul3A_539 : vector<16xf32>
        %add3A_541 = arith.addf %add3A_501, %max3A_540 : vector<16xf32>
        %get3A_542 = arith.index_cast %add3A_523 : i32 to index
        %get3A_543 = arith.constant 32 : index
        %get3A_544 = tpu.vector_load %arg6[%get3A_542, %get3A_543] {strides = array<i32>} : memref<200x64xf32, #tpu.memory_space<vmem>>, vector<1x16xf32>,
        %get3A_545 = vector.shape_cast %get3A_544 : vector<1x16xf32> to vector<16xf32>
        %mul3A_546 = arith.constant 0.00999999977 : f32
        %mul3A_547 = vector.broadcast %mul3A_546 : f32 to vector<16xf32>
        %mul3A_548 = arith.mulf %mul3A_547, %get3A_545 : vector<16xf32>
        %max3A_549 = arith.maximumf %get3A_545, %mul3A_548 : vector<16xf32>
        %add3A_550 = arith.addf %add3A_510, %max3A_549 : vector<16xf32>
        %get3A_551 = arith.index_cast %add3A_523 : i32 to index
        %get3A_552 = arith.constant 48 : index
        %get3A_553 = tpu.vector_load %arg6[%get3A_551, %get3A_552] {strides = array<i32>} : memref<200x64xf32, #tpu.memory_space<vmem>>, vector<1x16xf32>,
        %get3A_554 = vector.shape_cast %get3A_553 : vector<1x16xf32> to vector<16xf32>
        %mul3A_555 = arith.constant 0.00999999977 : f32
        %mul3A_556 = vector.broadcast %mul3A_555 : f32 to vector<16xf32>
        %mul3A_557 = arith.mulf %mul3A_556, %get3A_554 : vector<16xf32>
        %max3A_558 = arith.maximumf %get3A_554, %mul3A_557 : vector<16xf32>
        %add3A_559 = arith.addf %add3A_519, %max3A_558 : vector<16xf32>
        scf.yield %add3A_532, %add3A_541, %add3A_550, %add3A_559 : vector<16xf32>, vector<16xf32>, vector<16xf32>, vector<16xf32>
      }
      %scan3A_159 = arith.constant 25 : i32
      %swap3A_160 = arith.index_cast %mul3A_124 : i32 to index
      %swap3A_161 = arith.constant 0 : index
      %swap3A_162 = tpu.vector_load %arg8[%swap3A_160, %swap3A_161] {strides = array<i32>} : memref<128x64xf32, #tpu.memory_space<vmem>>, vector<1x16xf32>,
      %swap3A_163 = vector.shape_cast %swap3A_162 : vector<1x16xf32> to vector<16xf32>
      %swap3A_164 = vector.shape_cast %scan3A_158#0 : vector<16xf32> to vector<1x16xf32>
      tpu.vector_store %arg8[%swap3A_160, %swap3A_161], %swap3A_164 {strides = array<i32>} : memref<128x64xf32, #tpu.memory_space<vmem>>, vector<1x16xf32>,
      %swap3A_165 = arith.index_cast %mul3A_124 : i32 to index
      %swap3A_166 = arith.constant 16 : index
      %swap3A_167 = tpu.vector_load %arg8[%swap3A_165, %swap3A_166] {strides = array<i32>} : memref<128x64xf32, #tpu.memory_space<vmem>>, vector<1x16xf32>,
      %swap3A_168 = vector.shape_cast %swap3A_167 : vector<1x16xf32> to vector<16xf32>
      %swap3A_169 = vector.shape_cast %scan3A_158#1 : vector<16xf32> to vector<1x16xf32>
      tpu.vector_store %arg8[%swap3A_165, %swap3A_166], %swap3A_169 {strides = array<i32>} : memref<128x64xf32, #tpu.memory_space<vmem>>, vector<1x16xf32>,
      %swap3A_170 = arith.index_cast %mul3A_124 : i32 to index
      %swap3A_171 = arith.constant 32 : index
      %swap3A_172 = tpu.vector_load %arg8[%swap3A_170, %swap3A_171] {strides = array<i32>} : memref<128x64xf32, #tpu.memory_space<vmem>>, vector<1x16xf32>,
      %swap3A_173 = vector.shape_cast %swap3A_172 : vector<1x16xf32> to vector<16xf32>
      %swap3A_174 = vector.shape_cast %scan3A_158#2 : vector<16xf32> to vector<1x16xf32>
      tpu.vector_store %arg8[%swap3A_170, %swap3A_171], %swap3A_174 {strides = array<i32>} : memref<128x64xf32, #tpu.memory_space<vmem>>, vector<1x16xf32>,
      %swap3A_175 = arith.index_cast %mul3A_124 : i32 to index
      %swap3A_176 = arith.constant 48 : index
      %swap3A_177 = tpu.vector_load %arg8[%swap3A_175, %swap3A_176] {strides = array<i32>} : memref<128x64xf32, #tpu.memory_space<vmem>>, vector<1x16xf32>,
      %swap3A_178 = vector.shape_cast %swap3A_177 : vector<1x16xf32> to vector<16xf32>
      %swap3A_179 = vector.shape_cast %scan3A_158#3 : vector<16xf32> to vector<1x16xf32>
      tpu.vector_store %arg8[%swap3A_175, %swap3A_176], %swap3A_179 {strides = array<i32>} : memref<128x64xf32, #tpu.memory_space<vmem>>, vector<1x16xf32>,
      %add3A_180 = arith.constant 2 : i32
      %add3A_181 = arith.addi %mul3A_124, %add3A_180 : i32
      %dma_start3A_182 = arith.constant 0 : i32
      %dma_start3A_183 = arith.constant 0 : i32
      %dma_start3A_184 = tpu.memref_slice %arg6[%dma_start3A_182, %dma_start3A_183] : memref<200x64xf32, #tpu.memory_space<vmem>> -> memref<104x64xf32, #tpu.memory_space<vmem>>
      %dma_start3A_185 = arith.constant 0 : i32
      %dma_start3A_186 = tpu.memref_slice %arg5[%add3A_181, %dma_start3A_185] : memref<128x200xi32, #tpu.memory_space<vmem>> -> memref<1x104xi32, #tpu.memory_space<vmem>>
      %dma_start3A_187 = tpu.memref_squeeze %dma_start3A_186 : memref<1x104xi32, #tpu.memory_space<vmem>> -> memref<104xi32, #tpu.memory_space<vmem>>
      %dma_start3A_188 = arith.constant 0 : i32
      %dma_start3A_189 = arith.constant 0 : i32
      %dma_start3A_190 = tpu.memref_slice %arg3[%dma_start3A_188, %dma_start3A_189] : memref<1000000x64xf32, #tpu.memory_space<hbm>> -> memref<1000000x64xf32, #tpu.memory_space<hbm>>
      tpu.enqueue_indirect_dma source(%dma_start3A_190 : memref<1000000x64xf32, #tpu.memory_space<hbm>>) target(%dma_start3A_184 : memref<104x64xf32, #tpu.memory_space<vmem>>) offsets(%dma_start3A_187 : memref<104xi32, #tpu.memory_space<vmem>>) semaphore(%arg9 : memref<!tpu.dma_semaphore, #tpu.memory_space<semaphore_mem>>)
      %dma_start3A_191 = arith.constant 104 : i32
      %dma_start3A_192 = arith.constant 0 : i32
      %dma_start3A_193 = tpu.memref_slice %arg6[%dma_start3A_191, %dma_start3A_192] : memref<200x64xf32, #tpu.memory_space<vmem>> -> memref<96x64xf32, #tpu.memory_space<vmem>>
      %dma_start3A_194 = arith.constant 104 : i32
      %dma_start3A_195 = tpu.memref_slice %arg5[%add3A_181, %dma_start3A_194] : memref<128x200xi32, #tpu.memory_space<vmem>> -> memref<1x96xi32, #tpu.memory_space<vmem>>
      %dma_start3A_196 = tpu.memref_squeeze %dma_start3A_195 : memref<1x96xi32, #tpu.memory_space<vmem>> -> memref<96xi32, #tpu.memory_space<vmem>>
      %dma_start3A_197 = arith.constant 0 : i32
      %dma_start3A_198 = arith.constant 0 : i32
      %dma_start3A_199 = tpu.memref_slice %arg3[%dma_start3A_197, %dma_start3A_198] : memref<1000000x64xf32, #tpu.memory_space<hbm>> -> memref<1000000x64xf32, #tpu.memory_space<hbm>>
      tpu.enqueue_indirect_dma source(%dma_start3A_199 : memref<1000000x64xf32, #tpu.memory_space<hbm>>) target(%dma_start3A_193 : memref<96x64xf32, #tpu.memory_space<vmem>>) offsets(%dma_start3A_196 : memref<96xi32, #tpu.memory_space<vmem>>) semaphore(%arg9 : memref<!tpu.dma_semaphore, #tpu.memory_space<semaphore_mem>>)
      %dma_wait3A_200 = arith.constant 0 : i32
      %dma_wait3A_201 = arith.constant 0 : i32
      %dma_wait3A_202 = tpu.memref_slice %arg5[%dma_wait3A_200, %dma_wait3A_201] : memref<128x200xi32, #tpu.memory_space<vmem>> -> memref<1x200xi32, #tpu.memory_space<vmem>>
      %dma_wait3A_203 = tpu.memref_squeeze %dma_wait3A_202 : memref<1x200xi32, #tpu.memory_space<vmem>> -> memref<200xi32, #tpu.memory_space<vmem>>
      %dma_wait3A_204 = arith.constant 0 : i32
      %dma_wait3A_205 = arith.constant 0 : i32
      %dma_wait3A_206 = tpu.memref_slice %arg3[%dma_wait3A_204, %dma_wait3A_205] : memref<1000000x64xf32, #tpu.memory_space<hbm>> -> memref<1000000x64xf32, #tpu.memory_space<hbm>>
      tpu.wait_indirect_dma semaphore(%arg10 : memref<!tpu.dma_semaphore, #tpu.memory_space<semaphore_mem>>) src(%dma_wait3A_206 : memref<1000000x64xf32, #tpu.memory_space<hbm>>) dst(%arg7 : memref<200x64xf32, #tpu.memory_space<vmem>>)
      %add3A_207 = arith.constant 1 : i32
      %add3A_208 = arith.addi %mul3A_124, %add3A_207 : i32
      %broadcast_in_dim3A_209 = arith.constant 0.000000e+00 : f32
      %broadcast_in_dim3A_210 = vector.broadcast %broadcast_in_dim3A_209 : f32 to vector<16xf32>
      %scan3A_211 = arith.constant 0 : i32
      %scan3A_212 = arith.constant 25 : i32
      %scan3A_213 = arith.addi %scan3A_211, %scan3A_212 : i32
      %scan3A_214 = arith.constant 1 : i32
      %scan3A_215:4 = scf.for %scan3A_237 = %scan3A_211 to %scan3A_213 step %scan3A_214 iter_args(%scan3A_238 = %broadcast_in_dim3A_210, %scan3A_239 = %broadcast_in_dim3A_210, %scan3A_240 = %broadcast_in_dim3A_210, %scan3A_241 = %broadcast_in_dim3A_210) -> (vector<16xf32>, vector<16xf32>, vector<16xf32>, vector<16xf32>)  : i32 {
        %mul3A_242 = arith.constant 8 : i32
        %mul3A_243 = arith.muli %scan3A_237, %mul3A_242 : i32
        %add3A_244 = arith.constant 0 : i32
        %add3A_245 = arith.addi %mul3A_243, %add3A_244 : i32
        %get3A = arith.index_cast %add3A_245 : i32 to index
        %get3A_246 = arith.constant 0 : index
        %get3A_247 = tpu.vector_load %arg7[%get3A, %get3A_246] {strides = array<i32>} : memref<200x64xf32, #tpu.memory_space<vmem>>, vector<1x16xf32>,
        %get3A_248 = vector.shape_cast %get3A_247 : vector<1x16xf32> to vector<16xf32>
        %mul3A_249 = arith.constant 0.00999999977 : f32
        %mul3A_250 = vector.broadcast %mul3A_249 : f32 to vector<16xf32>
        %mul3A_251 = arith.mulf %mul3A_250, %get3A_248 : vector<16xf32>
        %max3A = arith.maximumf %get3A_248, %mul3A_251 : vector<16xf32>
        %add3A_252 = arith.addf %scan3A_238, %max3A : vector<16xf32>
        %get3A_253 = arith.index_cast %add3A_245 : i32 to index
        %get3A_254 = arith.constant 16 : index
        %get3A_255 = tpu.vector_load %arg7[%get3A_253, %get3A_254] {strides = array<i32>} : memref<200x64xf32, #tpu.memory_space<vmem>>, vector<1x16xf32>,
        %get3A_256 = vector.shape_cast %get3A_255 : vector<1x16xf32> to vector<16xf32>
        %mul3A_257 = arith.constant 0.00999999977 : f32
        %mul3A_258 = vector.broadcast %mul3A_257 : f32 to vector<16xf32>
        %mul3A_259 = arith.mulf %mul3A_258, %get3A_256 : vector<16xf32>
        %max3A_260 = arith.maximumf %get3A_256, %mul3A_259 : vector<16xf32>
        %add3A_261 = arith.addf %scan3A_239, %max3A_260 : vector<16xf32>
        %get3A_262 = arith.index_cast %add3A_245 : i32 to index
        %get3A_263 = arith.constant 32 : index
        %get3A_264 = tpu.vector_load %arg7[%get3A_262, %get3A_263] {strides = array<i32>} : memref<200x64xf32, #tpu.memory_space<vmem>>, vector<1x16xf32>,
        %get3A_265 = vector.shape_cast %get3A_264 : vector<1x16xf32> to vector<16xf32>
        %mul3A_266 = arith.constant 0.00999999977 : f32
        %mul3A_267 = vector.broadcast %mul3A_266 : f32 to vector<16xf32>
        %mul3A_268 = arith.mulf %mul3A_267, %get3A_265 : vector<16xf32>
        %max3A_269 = arith.maximumf %get3A_265, %mul3A_268 : vector<16xf32>
        %add3A_270 = arith.addf %scan3A_240, %max3A_269 : vector<16xf32>
        %get3A_271 = arith.index_cast %add3A_245 : i32 to index
        %get3A_272 = arith.constant 48 : index
        %get3A_273 = tpu.vector_load %arg7[%get3A_271, %get3A_272] {strides = array<i32>} : memref<200x64xf32, #tpu.memory_space<vmem>>, vector<1x16xf32>,
        %get3A_274 = vector.shape_cast %get3A_273 : vector<1x16xf32> to vector<16xf32>
        %mul3A_275 = arith.constant 0.00999999977 : f32
        %mul3A_276 = vector.broadcast %mul3A_275 : f32 to vector<16xf32>
        %mul3A_277 = arith.mulf %mul3A_276, %get3A_274 : vector<16xf32>
        %max3A_278 = arith.maximumf %get3A_274, %mul3A_277 : vector<16xf32>
        %add3A_279 = arith.addf %scan3A_241, %max3A_278 : vector<16xf32>
        %mul3A_280 = arith.constant 8 : i32
        %mul3A_281 = arith.muli %scan3A_237, %mul3A_280 : i32
        %add3A_282 = arith.constant 1 : i32
        %add3A_283 = arith.addi %mul3A_281, %add3A_282 : i32
        %get3A_284 = arith.index_cast %add3A_283 : i32 to index
        %get3A_285 = arith.constant 0 : index
        %get3A_286 = tpu.vector_load %arg7[%get3A_284, %get3A_285] {strides = array<i32>} : memref<200x64xf32, #tpu.memory_space<vmem>>, vector<1x16xf32>,
        %get3A_287 = vector.shape_cast %get3A_286 : vector<1x16xf32> to vector<16xf32>
        %mul3A_288 = arith.constant 0.00999999977 : f32
        %mul3A_289 = vector.broadcast %mul3A_288 : f32 to vector<16xf32>
        %mul3A_290 = arith.mulf %mul3A_289, %get3A_287 : vector<16xf32>
        %max3A_291 = arith.maximumf %get3A_287, %mul3A_290 : vector<16xf32>
        %add3A_292 = arith.addf %add3A_252, %max3A_291 : vector<16xf32>
        %get3A_293 = arith.index_cast %add3A_283 : i32 to index
        %get3A_294 = arith.constant 16 : index
        %get3A_295 = tpu.vector_load %arg7[%get3A_293, %get3A_294] {strides = array<i32>} : memref<200x64xf32, #tpu.memory_space<vmem>>, vector<1x16xf32>,
        %get3A_296 = vector.shape_cast %get3A_295 : vector<1x16xf32> to vector<16xf32>
        %mul3A_297 = arith.constant 0.00999999977 : f32
        %mul3A_298 = vector.broadcast %mul3A_297 : f32 to vector<16xf32>
        %mul3A_299 = arith.mulf %mul3A_298, %get3A_296 : vector<16xf32>
        %max3A_300 = arith.maximumf %get3A_296, %mul3A_299 : vector<16xf32>
        %add3A_301 = arith.addf %add3A_261, %max3A_300 : vector<16xf32>
        %get3A_302 = arith.index_cast %add3A_283 : i32 to index
        %get3A_303 = arith.constant 32 : index
        %get3A_304 = tpu.vector_load %arg7[%get3A_302, %get3A_303] {strides = array<i32>} : memref<200x64xf32, #tpu.memory_space<vmem>>, vector<1x16xf32>,
        %get3A_305 = vector.shape_cast %get3A_304 : vector<1x16xf32> to vector<16xf32>
        %mul3A_306 = arith.constant 0.00999999977 : f32
        %mul3A_307 = vector.broadcast %mul3A_306 : f32 to vector<16xf32>
        %mul3A_308 = arith.mulf %mul3A_307, %get3A_305 : vector<16xf32>
        %max3A_309 = arith.maximumf %get3A_305, %mul3A_308 : vector<16xf32>
        %add3A_310 = arith.addf %add3A_270, %max3A_309 : vector<16xf32>
        %get3A_311 = arith.index_cast %add3A_283 : i32 to index
        %get3A_312 = arith.constant 48 : index
        %get3A_313 = tpu.vector_load %arg7[%get3A_311, %get3A_312] {strides = array<i32>} : memref<200x64xf32, #tpu.memory_space<vmem>>, vector<1x16xf32>,
        %get3A_314 = vector.shape_cast %get3A_313 : vector<1x16xf32> to vector<16xf32>
        %mul3A_315 = arith.constant 0.00999999977 : f32
        %mul3A_316 = vector.broadcast %mul3A_315 : f32 to vector<16xf32>
        %mul3A_317 = arith.mulf %mul3A_316, %get3A_314 : vector<16xf32>
        %max3A_318 = arith.maximumf %get3A_314, %mul3A_317 : vector<16xf32>
        %add3A_319 = arith.addf %add3A_279, %max3A_318 : vector<16xf32>
        %mul3A_320 = arith.constant 8 : i32
        %mul3A_321 = arith.muli %scan3A_237, %mul3A_320 : i32
        %add3A_322 = arith.constant 2 : i32
        %add3A_323 = arith.addi %mul3A_321, %add3A_322 : i32
        %get3A_324 = arith.index_cast %add3A_323 : i32 to index
        %get3A_325 = arith.constant 0 : index
        %get3A_326 = tpu.vector_load %arg7[%get3A_324, %get3A_325] {strides = array<i32>} : memref<200x64xf32, #tpu.memory_space<vmem>>, vector<1x16xf32>,
        %get3A_327 = vector.shape_cast %get3A_326 : vector<1x16xf32> to vector<16xf32>
        %mul3A_328 = arith.constant 0.00999999977 : f32
        %mul3A_329 = vector.broadcast %mul3A_328 : f32 to vector<16xf32>
        %mul3A_330 = arith.mulf %mul3A_329, %get3A_327 : vector<16xf32>
        %max3A_331 = arith.maximumf %get3A_327, %mul3A_330 : vector<16xf32>
        %add3A_332 = arith.addf %add3A_292, %max3A_331 : vector<16xf32>
        %get3A_333 = arith.index_cast %add3A_323 : i32 to index
        %get3A_334 = arith.constant 16 : index
        %get3A_335 = tpu.vector_load %arg7[%get3A_333, %get3A_334] {strides = array<i32>} : memref<200x64xf32, #tpu.memory_space<vmem>>, vector<1x16xf32>,
        %get3A_336 = vector.shape_cast %get3A_335 : vector<1x16xf32> to vector<16xf32>
        %mul3A_337 = arith.constant 0.00999999977 : f32
        %mul3A_338 = vector.broadcast %mul3A_337 : f32 to vector<16xf32>
        %mul3A_339 = arith.mulf %mul3A_338, %get3A_336 : vector<16xf32>
        %max3A_340 = arith.maximumf %get3A_336, %mul3A_339 : vector<16xf32>
        %add3A_341 = arith.addf %add3A_301, %max3A_340 : vector<16xf32>
        %get3A_342 = arith.index_cast %add3A_323 : i32 to index
        %get3A_343 = arith.constant 32 : index
        %get3A_344 = tpu.vector_load %arg7[%get3A_342, %get3A_343] {strides = array<i32>} : memref<200x64xf32, #tpu.memory_space<vmem>>, vector<1x16xf32>,
        %get3A_345 = vector.shape_cast %get3A_344 : vector<1x16xf32> to vector<16xf32>
        %mul3A_346 = arith.constant 0.00999999977 : f32
        %mul3A_347 = vector.broadcast %mul3A_346 : f32 to vector<16xf32>
        %mul3A_348 = arith.mulf %mul3A_347, %get3A_345 : vector<16xf32>
        %max3A_349 = arith.maximumf %get3A_345, %mul3A_348 : vector<16xf32>
        %add3A_350 = arith.addf %add3A_310, %max3A_349 : vector<16xf32>
        %get3A_351 = arith.index_cast %add3A_323 : i32 to index
        %get3A_352 = arith.constant 48 : index
        %get3A_353 = tpu.vector_load %arg7[%get3A_351, %get3A_352] {strides = array<i32>} : memref<200x64xf32, #tpu.memory_space<vmem>>, vector<1x16xf32>,
        %get3A_354 = vector.shape_cast %get3A_353 : vector<1x16xf32> to vector<16xf32>
        %mul3A_355 = arith.constant 0.00999999977 : f32
        %mul3A_356 = vector.broadcast %mul3A_355 : f32 to vector<16xf32>
        %mul3A_357 = arith.mulf %mul3A_356, %get3A_354 : vector<16xf32>
        %max3A_358 = arith.maximumf %get3A_354, %mul3A_357 : vector<16xf32>
        %add3A_359 = arith.addf %add3A_319, %max3A_358 : vector<16xf32>
        %mul3A_360 = arith.constant 8 : i32
        %mul3A_361 = arith.muli %scan3A_237, %mul3A_360 : i32
        %add3A_362 = arith.constant 3 : i32
        %add3A_363 = arith.addi %mul3A_361, %add3A_362 : i32
        %get3A_364 = arith.index_cast %add3A_363 : i32 to index
        %get3A_365 = arith.constant 0 : index
        %get3A_366 = tpu.vector_load %arg7[%get3A_364, %get3A_365] {strides = array<i32>} : memref<200x64xf32, #tpu.memory_space<vmem>>, vector<1x16xf32>,
        %get3A_367 = vector.shape_cast %get3A_366 : vector<1x16xf32> to vector<16xf32>
        %mul3A_368 = arith.constant 0.00999999977 : f32
        %mul3A_369 = vector.broadcast %mul3A_368 : f32 to vector<16xf32>
        %mul3A_370 = arith.mulf %mul3A_369, %get3A_367 : vector<16xf32>
        %max3A_371 = arith.maximumf %get3A_367, %mul3A_370 : vector<16xf32>
        %add3A_372 = arith.addf %add3A_332, %max3A_371 : vector<16xf32>
        %get3A_373 = arith.index_cast %add3A_363 : i32 to index
        %get3A_374 = arith.constant 16 : index
        %get3A_375 = tpu.vector_load %arg7[%get3A_373, %get3A_374] {strides = array<i32>} : memref<200x64xf32, #tpu.memory_space<vmem>>, vector<1x16xf32>,
        %get3A_376 = vector.shape_cast %get3A_375 : vector<1x16xf32> to vector<16xf32>
        %mul3A_377 = arith.constant 0.00999999977 : f32
        %mul3A_378 = vector.broadcast %mul3A_377 : f32 to vector<16xf32>
        %mul3A_379 = arith.mulf %mul3A_378, %get3A_376 : vector<16xf32>
        %max3A_380 = arith.maximumf %get3A_376, %mul3A_379 : vector<16xf32>
        %add3A_381 = arith.addf %add3A_341, %max3A_380 : vector<16xf32>
        %get3A_382 = arith.index_cast %add3A_363 : i32 to index
        %get3A_383 = arith.constant 32 : index
        %get3A_384 = tpu.vector_load %arg7[%get3A_382, %get3A_383] {strides = array<i32>} : memref<200x64xf32, #tpu.memory_space<vmem>>, vector<1x16xf32>,
        %get3A_385 = vector.shape_cast %get3A_384 : vector<1x16xf32> to vector<16xf32>
        %mul3A_386 = arith.constant 0.00999999977 : f32
        %mul3A_387 = vector.broadcast %mul3A_386 : f32 to vector<16xf32>
        %mul3A_388 = arith.mulf %mul3A_387, %get3A_385 : vector<16xf32>
        %max3A_389 = arith.maximumf %get3A_385, %mul3A_388 : vector<16xf32>
        %add3A_390 = arith.addf %add3A_350, %max3A_389 : vector<16xf32>
        %get3A_391 = arith.index_cast %add3A_363 : i32 to index
        %get3A_392 = arith.constant 48 : index
        %get3A_393 = tpu.vector_load %arg7[%get3A_391, %get3A_392] {strides = array<i32>} : memref<200x64xf32, #tpu.memory_space<vmem>>, vector<1x16xf32>,
        %get3A_394 = vector.shape_cast %get3A_393 : vector<1x16xf32> to vector<16xf32>
        %mul3A_395 = arith.constant 0.00999999977 : f32
        %mul3A_396 = vector.broadcast %mul3A_395 : f32 to vector<16xf32>
        %mul3A_397 = arith.mulf %mul3A_396, %get3A_394 : vector<16xf32>
        %max3A_398 = arith.maximumf %get3A_394, %mul3A_397 : vector<16xf32>
        %add3A_399 = arith.addf %add3A_359, %max3A_398 : vector<16xf32>
        %mul3A_400 = arith.constant 8 : i32
        %mul3A_401 = arith.muli %scan3A_237, %mul3A_400 : i32
        %add3A_402 = arith.constant 4 : i32
        %add3A_403 = arith.addi %mul3A_401, %add3A_402 : i32
        %get3A_404 = arith.index_cast %add3A_403 : i32 to index
        %get3A_405 = arith.constant 0 : index
        %get3A_406 = tpu.vector_load %arg7[%get3A_404, %get3A_405] {strides = array<i32>} : memref<200x64xf32, #tpu.memory_space<vmem>>, vector<1x16xf32>,
        %get3A_407 = vector.shape_cast %get3A_406 : vector<1x16xf32> to vector<16xf32>
        %mul3A_408 = arith.constant 0.00999999977 : f32
        %mul3A_409 = vector.broadcast %mul3A_408 : f32 to vector<16xf32>
        %mul3A_410 = arith.mulf %mul3A_409, %get3A_407 : vector<16xf32>
        %max3A_411 = arith.maximumf %get3A_407, %mul3A_410 : vector<16xf32>
        %add3A_412 = arith.addf %add3A_372, %max3A_411 : vector<16xf32>
        %get3A_413 = arith.index_cast %add3A_403 : i32 to index
        %get3A_414 = arith.constant 16 : index
        %get3A_415 = tpu.vector_load %arg7[%get3A_413, %get3A_414] {strides = array<i32>} : memref<200x64xf32, #tpu.memory_space<vmem>>, vector<1x16xf32>,
        %get3A_416 = vector.shape_cast %get3A_415 : vector<1x16xf32> to vector<16xf32>
        %mul3A_417 = arith.constant 0.00999999977 : f32
        %mul3A_418 = vector.broadcast %mul3A_417 : f32 to vector<16xf32>
        %mul3A_419 = arith.mulf %mul3A_418, %get3A_416 : vector<16xf32>
        %max3A_420 = arith.maximumf %get3A_416, %mul3A_419 : vector<16xf32>
        %add3A_421 = arith.addf %add3A_381, %max3A_420 : vector<16xf32>
        %get3A_422 = arith.index_cast %add3A_403 : i32 to index
        %get3A_423 = arith.constant 32 : index
        %get3A_424 = tpu.vector_load %arg7[%get3A_422, %get3A_423] {strides = array<i32>} : memref<200x64xf32, #tpu.memory_space<vmem>>, vector<1x16xf32>,
        %get3A_425 = vector.shape_cast %get3A_424 : vector<1x16xf32> to vector<16xf32>
        %mul3A_426 = arith.constant 0.00999999977 : f32
        %mul3A_427 = vector.broadcast %mul3A_426 : f32 to vector<16xf32>
        %mul3A_428 = arith.mulf %mul3A_427, %get3A_425 : vector<16xf32>
        %max3A_429 = arith.maximumf %get3A_425, %mul3A_428 : vector<16xf32>
        %add3A_430 = arith.addf %add3A_390, %max3A_429 : vector<16xf32>
        %get3A_431 = arith.index_cast %add3A_403 : i32 to index
        %get3A_432 = arith.constant 48 : index
        %get3A_433 = tpu.vector_load %arg7[%get3A_431, %get3A_432] {strides = array<i32>} : memref<200x64xf32, #tpu.memory_space<vmem>>, vector<1x16xf32>,
        %get3A_434 = vector.shape_cast %get3A_433 : vector<1x16xf32> to vector<16xf32>
        %mul3A_435 = arith.constant 0.00999999977 : f32
        %mul3A_436 = vector.broadcast %mul3A_435 : f32 to vector<16xf32>
        %mul3A_437 = arith.mulf %mul3A_436, %get3A_434 : vector<16xf32>
        %max3A_438 = arith.maximumf %get3A_434, %mul3A_437 : vector<16xf32>
        %add3A_439 = arith.addf %add3A_399, %max3A_438 : vector<16xf32>
        %mul3A_440 = arith.constant 8 : i32
        %mul3A_441 = arith.muli %scan3A_237, %mul3A_440 : i32
        %add3A_442 = arith.constant 5 : i32
        %add3A_443 = arith.addi %mul3A_441, %add3A_442 : i32
        %get3A_444 = arith.index_cast %add3A_443 : i32 to index
        %get3A_445 = arith.constant 0 : index
        %get3A_446 = tpu.vector_load %arg7[%get3A_444, %get3A_445] {strides = array<i32>} : memref<200x64xf32, #tpu.memory_space<vmem>>, vector<1x16xf32>,
        %get3A_447 = vector.shape_cast %get3A_446 : vector<1x16xf32> to vector<16xf32>
        %mul3A_448 = arith.constant 0.00999999977 : f32
        %mul3A_449 = vector.broadcast %mul3A_448 : f32 to vector<16xf32>
        %mul3A_450 = arith.mulf %mul3A_449, %get3A_447 : vector<16xf32>
        %max3A_451 = arith.maximumf %get3A_447, %mul3A_450 : vector<16xf32>
        %add3A_452 = arith.addf %add3A_412, %max3A_451 : vector<16xf32>
        %get3A_453 = arith.index_cast %add3A_443 : i32 to index
        %get3A_454 = arith.constant 16 : index
        %get3A_455 = tpu.vector_load %arg7[%get3A_453, %get3A_454] {strides = array<i32>} : memref<200x64xf32, #tpu.memory_space<vmem>>, vector<1x16xf32>,
        %get3A_456 = vector.shape_cast %get3A_455 : vector<1x16xf32> to vector<16xf32>
        %mul3A_457 = arith.constant 0.00999999977 : f32
        %mul3A_458 = vector.broadcast %mul3A_457 : f32 to vector<16xf32>
        %mul3A_459 = arith.mulf %mul3A_458, %get3A_456 : vector<16xf32>
        %max3A_460 = arith.maximumf %get3A_456, %mul3A_459 : vector<16xf32>
        %add3A_461 = arith.addf %add3A_421, %max3A_460 : vector<16xf32>
        %get3A_462 = arith.index_cast %add3A_443 : i32 to index
        %get3A_463 = arith.constant 32 : index
        %get3A_464 = tpu.vector_load %arg7[%get3A_462, %get3A_463] {strides = array<i32>} : memref<200x64xf32, #tpu.memory_space<vmem>>, vector<1x16xf32>,
        %get3A_465 = vector.shape_cast %get3A_464 : vector<1x16xf32> to vector<16xf32>
        %mul3A_466 = arith.constant 0.00999999977 : f32
        %mul3A_467 = vector.broadcast %mul3A_466 : f32 to vector<16xf32>
        %mul3A_468 = arith.mulf %mul3A_467, %get3A_465 : vector<16xf32>
        %max3A_469 = arith.maximumf %get3A_465, %mul3A_468 : vector<16xf32>
        %add3A_470 = arith.addf %add3A_430, %max3A_469 : vector<16xf32>
        %get3A_471 = arith.index_cast %add3A_443 : i32 to index
        %get3A_472 = arith.constant 48 : index
        %get3A_473 = tpu.vector_load %arg7[%get3A_471, %get3A_472] {strides = array<i32>} : memref<200x64xf32, #tpu.memory_space<vmem>>, vector<1x16xf32>,
        %get3A_474 = vector.shape_cast %get3A_473 : vector<1x16xf32> to vector<16xf32>
        %mul3A_475 = arith.constant 0.00999999977 : f32
        %mul3A_476 = vector.broadcast %mul3A_475 : f32 to vector<16xf32>
        %mul3A_477 = arith.mulf %mul3A_476, %get3A_474 : vector<16xf32>
        %max3A_478 = arith.maximumf %get3A_474, %mul3A_477 : vector<16xf32>
        %add3A_479 = arith.addf %add3A_439, %max3A_478 : vector<16xf32>
        %mul3A_480 = arith.constant 8 : i32
        %mul3A_481 = arith.muli %scan3A_237, %mul3A_480 : i32
        %add3A_482 = arith.constant 6 : i32
        %add3A_483 = arith.addi %mul3A_481, %add3A_482 : i32
        %get3A_484 = arith.index_cast %add3A_483 : i32 to index
        %get3A_485 = arith.constant 0 : index
        %get3A_486 = tpu.vector_load %arg7[%get3A_484, %get3A_485] {strides = array<i32>} : memref<200x64xf32, #tpu.memory_space<vmem>>, vector<1x16xf32>,
        %get3A_487 = vector.shape_cast %get3A_486 : vector<1x16xf32> to vector<16xf32>
        %mul3A_488 = arith.constant 0.00999999977 : f32
        %mul3A_489 = vector.broadcast %mul3A_488 : f32 to vector<16xf32>
        %mul3A_490 = arith.mulf %mul3A_489, %get3A_487 : vector<16xf32>
        %max3A_491 = arith.maximumf %get3A_487, %mul3A_490 : vector<16xf32>
        %add3A_492 = arith.addf %add3A_452, %max3A_491 : vector<16xf32>
        %get3A_493 = arith.index_cast %add3A_483 : i32 to index
        %get3A_494 = arith.constant 16 : index
        %get3A_495 = tpu.vector_load %arg7[%get3A_493, %get3A_494] {strides = array<i32>} : memref<200x64xf32, #tpu.memory_space<vmem>>, vector<1x16xf32>,
        %get3A_496 = vector.shape_cast %get3A_495 : vector<1x16xf32> to vector<16xf32>
        %mul3A_497 = arith.constant 0.00999999977 : f32
        %mul3A_498 = vector.broadcast %mul3A_497 : f32 to vector<16xf32>
        %mul3A_499 = arith.mulf %mul3A_498, %get3A_496 : vector<16xf32>
        %max3A_500 = arith.maximumf %get3A_496, %mul3A_499 : vector<16xf32>
        %add3A_501 = arith.addf %add3A_461, %max3A_500 : vector<16xf32>
        %get3A_502 = arith.index_cast %add3A_483 : i32 to index
        %get3A_503 = arith.constant 32 : index
        %get3A_504 = tpu.vector_load %arg7[%get3A_502, %get3A_503] {strides = array<i32>} : memref<200x64xf32, #tpu.memory_space<vmem>>, vector<1x16xf32>,
        %get3A_505 = vector.shape_cast %get3A_504 : vector<1x16xf32> to vector<16xf32>
        %mul3A_506 = arith.constant 0.00999999977 : f32
        %mul3A_507 = vector.broadcast %mul3A_506 : f32 to vector<16xf32>
        %mul3A_508 = arith.mulf %mul3A_507, %get3A_505 : vector<16xf32>
        %max3A_509 = arith.maximumf %get3A_505, %mul3A_508 : vector<16xf32>
        %add3A_510 = arith.addf %add3A_470, %max3A_509 : vector<16xf32>
        %get3A_511 = arith.index_cast %add3A_483 : i32 to index
        %get3A_512 = arith.constant 48 : index
        %get3A_513 = tpu.vector_load %arg7[%get3A_511, %get3A_512] {strides = array<i32>} : memref<200x64xf32, #tpu.memory_space<vmem>>, vector<1x16xf32>,
        %get3A_514 = vector.shape_cast %get3A_513 : vector<1x16xf32> to vector<16xf32>
        %mul3A_515 = arith.constant 0.00999999977 : f32
        %mul3A_516 = vector.broadcast %mul3A_515 : f32 to vector<16xf32>
        %mul3A_517 = arith.mulf %mul3A_516, %get3A_514 : vector<16xf32>
        %max3A_518 = arith.maximumf %get3A_514, %mul3A_517 : vector<16xf32>
        %add3A_519 = arith.addf %add3A_479, %max3A_518 : vector<16xf32>
        %mul3A_520 = arith.constant 8 : i32
        %mul3A_521 = arith.muli %scan3A_237, %mul3A_520 : i32
        %add3A_522 = arith.constant 7 : i32
        %add3A_523 = arith.addi %mul3A_521, %add3A_522 : i32
        %get3A_524 = arith.index_cast %add3A_523 : i32 to index
        %get3A_525 = arith.constant 0 : index
        %get3A_526 = tpu.vector_load %arg7[%get3A_524, %get3A_525] {strides = array<i32>} : memref<200x64xf32, #tpu.memory_space<vmem>>, vector<1x16xf32>,
        %get3A_527 = vector.shape_cast %get3A_526 : vector<1x16xf32> to vector<16xf32>
        %mul3A_528 = arith.constant 0.00999999977 : f32
        %mul3A_529 = vector.broadcast %mul3A_528 : f32 to vector<16xf32>
        %mul3A_530 = arith.mulf %mul3A_529, %get3A_527 : vector<16xf32>
        %max3A_531 = arith.maximumf %get3A_527, %mul3A_530 : vector<16xf32>
        %add3A_532 = arith.addf %add3A_492, %max3A_531 : vector<16xf32>
        %get3A_533 = arith.index_cast %add3A_523 : i32 to index
        %get3A_534 = arith.constant 16 : index
        %get3A_535 = tpu.vector_load %arg7[%get3A_533, %get3A_534] {strides = array<i32>} : memref<200x64xf32, #tpu.memory_space<vmem>>, vector<1x16xf32>,
        %get3A_536 = vector.shape_cast %get3A_535 : vector<1x16xf32> to vector<16xf32>
        %mul3A_537 = arith.constant 0.00999999977 : f32
        %mul3A_538 = vector.broadcast %mul3A_537 : f32 to vector<16xf32>
        %mul3A_539 = arith.mulf %mul3A_538, %get3A_536 : vector<16xf32>
        %max3A_540 = arith.maximumf %get3A_536, %mul3A_539 : vector<16xf32>
        %add3A_541 = arith.addf %add3A_501, %max3A_540 : vector<16xf32>
        %get3A_542 = arith.index_cast %add3A_523 : i32 to index
        %get3A_543 = arith.constant 32 : index
        %get3A_544 = tpu.vector_load %arg7[%get3A_542, %get3A_543] {strides = array<i32>} : memref<200x64xf32, #tpu.memory_space<vmem>>, vector<1x16xf32>,
        %get3A_545 = vector.shape_cast %get3A_544 : vector<1x16xf32> to vector<16xf32>
        %mul3A_546 = arith.constant 0.00999999977 : f32
        %mul3A_547 = vector.broadcast %mul3A_546 : f32 to vector<16xf32>
        %mul3A_548 = arith.mulf %mul3A_547, %get3A_545 : vector<16xf32>
        %max3A_549 = arith.maximumf %get3A_545, %mul3A_548 : vector<16xf32>
        %add3A_550 = arith.addf %add3A_510, %max3A_549 : vector<16xf32>
        %get3A_551 = arith.index_cast %add3A_523 : i32 to index
        %get3A_552 = arith.constant 48 : index
        %get3A_553 = tpu.vector_load %arg7[%get3A_551, %get3A_552] {strides = array<i32>} : memref<200x64xf32, #tpu.memory_space<vmem>>, vector<1x16xf32>,
        %get3A_554 = vector.shape_cast %get3A_553 : vector<1x16xf32> to vector<16xf32>
        %mul3A_555 = arith.constant 0.00999999977 : f32
        %mul3A_556 = vector.broadcast %mul3A_555 : f32 to vector<16xf32>
        %mul3A_557 = arith.mulf %mul3A_556, %get3A_554 : vector<16xf32>
        %max3A_558 = arith.maximumf %get3A_554, %mul3A_557 : vector<16xf32>
        %add3A_559 = arith.addf %add3A_519, %max3A_558 : vector<16xf32>
        scf.yield %add3A_532, %add3A_541, %add3A_550, %add3A_559 : vector<16xf32>, vector<16xf32>, vector<16xf32>, vector<16xf32>
      }
      %scan3A_216 = arith.constant 25 : i32
      %swap3A_217 = arith.index_cast %add3A_208 : i32 to index
      %swap3A_218 = arith.constant 0 : index
      %swap3A_219 = tpu.vector_load %arg8[%swap3A_217, %swap3A_218] {strides = array<i32>} : memref<128x64xf32, #tpu.memory_space<vmem>>, vector<1x16xf32>,
      %swap3A_220 = vector.shape_cast %swap3A_219 : vector<1x16xf32> to vector<16xf32>
      %swap3A_221 = vector.shape_cast %scan3A_215#0 : vector<16xf32> to vector<1x16xf32>
      tpu.vector_store %arg8[%swap3A_217, %swap3A_218], %swap3A_221 {strides = array<i32>} : memref<128x64xf32, #tpu.memory_space<vmem>>, vector<1x16xf32>,
      %swap3A_222 = arith.index_cast %add3A_208 : i32 to index
      %swap3A_223 = arith.constant 16 : index
      %swap3A_224 = tpu.vector_load %arg8[%swap3A_222, %swap3A_223] {strides = array<i32>} : memref<128x64xf32, #tpu.memory_space<vmem>>, vector<1x16xf32>,
      %swap3A_225 = vector.shape_cast %swap3A_224 : vector<1x16xf32> to vector<16xf32>
      %swap3A_226 = vector.shape_cast %scan3A_215#1 : vector<16xf32> to vector<1x16xf32>
      tpu.vector_store %arg8[%swap3A_222, %swap3A_223], %swap3A_226 {strides = array<i32>} : memref<128x64xf32, #tpu.memory_space<vmem>>, vector<1x16xf32>,
      %swap3A_227 = arith.index_cast %add3A_208 : i32 to index
      %swap3A_228 = arith.constant 32 : index
      %swap3A_229 = tpu.vector_load %arg8[%swap3A_227, %swap3A_228] {strides = array<i32>} : memref<128x64xf32, #tpu.memory_space<vmem>>, vector<1x16xf32>,
      %swap3A_230 = vector.shape_cast %swap3A_229 : vector<1x16xf32> to vector<16xf32>
      %swap3A_231 = vector.shape_cast %scan3A_215#2 : vector<16xf32> to vector<1x16xf32>
      tpu.vector_store %arg8[%swap3A_227, %swap3A_228], %swap3A_231 {strides = array<i32>} : memref<128x64xf32, #tpu.memory_space<vmem>>, vector<1x16xf32>,
      %swap3A_232 = arith.index_cast %add3A_208 : i32 to index
      %swap3A_233 = arith.constant 48 : index
      %swap3A_234 = tpu.vector_load %arg8[%swap3A_232, %swap3A_233] {strides = array<i32>} : memref<128x64xf32, #tpu.memory_space<vmem>>, vector<1x16xf32>,
      %swap3A_235 = vector.shape_cast %swap3A_234 : vector<1x16xf32> to vector<16xf32>
      %swap3A_236 = vector.shape_cast %scan3A_215#3 : vector<16xf32> to vector<1x16xf32>
      tpu.vector_store %arg8[%swap3A_232, %swap3A_233], %swap3A_236 {strides = array<i32>} : memref<128x64xf32, #tpu.memory_space<vmem>>, vector<1x16xf32>,
    }
    %scan3A_26 = arith.constant 63 : i32
    %dma_start3A_27 = arith.constant 127 : i32
    %dma_start3A_28 = arith.constant 0 : i32
    %dma_start3A_29 = arith.constant 0 : i32
    %dma_start3A_30 = tpu.memref_slice %arg7[%dma_start3A_28, %dma_start3A_29] : memref<200x64xf32, #tpu.memory_space<vmem>> -> memref<104x64xf32, #tpu.memory_space<vmem>>
    %dma_start3A_31 = arith.constant 0 : i32
    %dma_start3A_32 = tpu.memref_slice %arg5[%dma_start3A_27, %dma_start3A_31] : memref<128x200xi32, #tpu.memory_space<vmem>> -> memref<1x104xi32, #tpu.memory_space<vmem>>
    %dma_start3A_33 = tpu.memref_squeeze %dma_start3A_32 : memref<1x104xi32, #tpu.memory_space<vmem>> -> memref<104xi32, #tpu.memory_space<vmem>>
    %dma_start3A_34 = arith.constant 0 : i32
    %dma_start3A_35 = arith.constant 0 : i32
    %dma_start3A_36 = tpu.memref_slice %arg3[%dma_start3A_34, %dma_start3A_35] : memref<1000000x64xf32, #tpu.memory_space<hbm>> -> memref<1000000x64xf32, #tpu.memory_space<hbm>>
    tpu.enqueue_indirect_dma source(%dma_start3A_36 : memref<1000000x64xf32, #tpu.memory_space<hbm>>) target(%dma_start3A_30 : memref<104x64xf32, #tpu.memory_space<vmem>>) offsets(%dma_start3A_33 : memref<104xi32, #tpu.memory_space<vmem>>) semaphore(%arg10 : memref<!tpu.dma_semaphore, #tpu.memory_space<semaphore_mem>>)
    %dma_start3A_37 = arith.constant 127 : i32
    %dma_start3A_38 = arith.constant 104 : i32
    %dma_start3A_39 = arith.constant 0 : i32
    %dma_start3A_40 = tpu.memref_slice %arg7[%dma_start3A_38, %dma_start3A_39] : memref<200x64xf32, #tpu.memory_space<vmem>> -> memref<96x64xf32, #tpu.memory_space<vmem>>
    %dma_start3A_41 = arith.constant 104 : i32
    %dma_start3A_42 = tpu.memref_slice %arg5[%dma_start3A_37, %dma_start3A_41] : memref<128x200xi32, #tpu.memory_space<vmem>> -> memref<1x96xi32, #tpu.memory_space<vmem>>
    %dma_start3A_43 = tpu.memref_squeeze %dma_start3A_42 : memref<1x96xi32, #tpu.memory_space<vmem>> -> memref<96xi32, #tpu.memory_space<vmem>>
    %dma_start3A_44 = arith.constant 0 : i32
    %dma_start3A_45 = arith.constant 0 : i32
    %dma_start3A_46 = tpu.memref_slice %arg3[%dma_start3A_44, %dma_start3A_45] : memref<1000000x64xf32, #tpu.memory_space<hbm>> -> memref<1000000x64xf32, #tpu.memory_space<hbm>>
    tpu.enqueue_indirect_dma source(%dma_start3A_46 : memref<1000000x64xf32, #tpu.memory_space<hbm>>) target(%dma_start3A_40 : memref<96x64xf32, #tpu.memory_space<vmem>>) offsets(%dma_start3A_43 : memref<96xi32, #tpu.memory_space<vmem>>) semaphore(%arg10 : memref<!tpu.dma_semaphore, #tpu.memory_space<semaphore_mem>>)
    %dma_wait3A = arith.constant 0 : i32
    %dma_wait3A_47 = arith.constant 0 : i32
    %dma_wait3A_48 = tpu.memref_slice %arg5[%dma_wait3A, %dma_wait3A_47] : memref<128x200xi32, #tpu.memory_space<vmem>> -> memref<1x200xi32, #tpu.memory_space<vmem>>
    %dma_wait3A_49 = tpu.memref_squeeze %dma_wait3A_48 : memref<1x200xi32, #tpu.memory_space<vmem>> -> memref<200xi32, #tpu.memory_space<vmem>>
    %dma_wait3A_50 = arith.constant 0 : i32
    %dma_wait3A_51 = arith.constant 0 : i32
    %dma_wait3A_52 = tpu.memref_slice %arg3[%dma_wait3A_50, %dma_wait3A_51] : memref<1000000x64xf32, #tpu.memory_space<hbm>> -> memref<1000000x64xf32, #tpu.memory_space<hbm>>
    tpu.wait_indirect_dma semaphore(%arg9 : memref<!tpu.dma_semaphore, #tpu.memory_space<semaphore_mem>>) src(%dma_wait3A_52 : memref<1000000x64xf32, #tpu.memory_space<hbm>>) dst(%arg6 : memref<200x64xf32, #tpu.memory_space<vmem>>)
    %broadcast_in_dim3A = arith.constant 0.000000e+00 : f32
    %broadcast_in_dim3A_53 = vector.broadcast %broadcast_in_dim3A : f32 to vector<16xf32>
    %scan3A_54 = arith.constant 0 : i32
    %scan3A_55 = arith.constant 25 : i32
    %scan3A_56 = arith.addi %scan3A_54, %scan3A_55 : i32
    %scan3A_57 = arith.constant 1 : i32
    %scan3A_58:4 = scf.for %scan3A_122 = %scan3A_54 to %scan3A_56 step %scan3A_57 iter_args(%scan3A_123 = %broadcast_in_dim3A_53, %scan3A_124 = %broadcast_in_dim3A_53, %scan3A_125 = %broadcast_in_dim3A_53, %scan3A_126 = %broadcast_in_dim3A_53) -> (vector<16xf32>, vector<16xf32>, vector<16xf32>, vector<16xf32>)  : i32 {
      %mul3A_127 = arith.constant 8 : i32
      %mul3A_128 = arith.muli %scan3A_122, %mul3A_127 : i32
      %add3A_129 = arith.constant 0 : i32
      %add3A_130 = arith.addi %mul3A_128, %add3A_129 : i32
      %get3A = arith.index_cast %add3A_130 : i32 to index
      %get3A_131 = arith.constant 0 : index
      %get3A_132 = tpu.vector_load %arg6[%get3A, %get3A_131] {strides = array<i32>} : memref<200x64xf32, #tpu.memory_space<vmem>>, vector<1x16xf32>,
      %get3A_133 = vector.shape_cast %get3A_132 : vector<1x16xf32> to vector<16xf32>
      %mul3A_134 = arith.constant 0.00999999977 : f32
      %mul3A_135 = vector.broadcast %mul3A_134 : f32 to vector<16xf32>
      %mul3A_136 = arith.mulf %mul3A_135, %get3A_133 : vector<16xf32>
      %max3A = arith.maximumf %get3A_133, %mul3A_136 : vector<16xf32>
      %add3A_137 = arith.addf %scan3A_123, %max3A : vector<16xf32>
      %get3A_138 = arith.index_cast %add3A_130 : i32 to index
      %get3A_139 = arith.constant 16 : index
      %get3A_140 = tpu.vector_load %arg6[%get3A_138, %get3A_139] {strides = array<i32>} : memref<200x64xf32, #tpu.memory_space<vmem>>, vector<1x16xf32>,
      %get3A_141 = vector.shape_cast %get3A_140 : vector<1x16xf32> to vector<16xf32>
      %mul3A_142 = arith.constant 0.00999999977 : f32
      %mul3A_143 = vector.broadcast %mul3A_142 : f32 to vector<16xf32>
      %mul3A_144 = arith.mulf %mul3A_143, %get3A_141 : vector<16xf32>
      %max3A_145 = arith.maximumf %get3A_141, %mul3A_144 : vector<16xf32>
      %add3A_146 = arith.addf %scan3A_124, %max3A_145 : vector<16xf32>
      %get3A_147 = arith.index_cast %add3A_130 : i32 to index
      %get3A_148 = arith.constant 32 : index
      %get3A_149 = tpu.vector_load %arg6[%get3A_147, %get3A_148] {strides = array<i32>} : memref<200x64xf32, #tpu.memory_space<vmem>>, vector<1x16xf32>,
      %get3A_150 = vector.shape_cast %get3A_149 : vector<1x16xf32> to vector<16xf32>
      %mul3A_151 = arith.constant 0.00999999977 : f32
      %mul3A_152 = vector.broadcast %mul3A_151 : f32 to vector<16xf32>
      %mul3A_153 = arith.mulf %mul3A_152, %get3A_150 : vector<16xf32>
      %max3A_154 = arith.maximumf %get3A_150, %mul3A_153 : vector<16xf32>
      %add3A_155 = arith.addf %scan3A_125, %max3A_154 : vector<16xf32>
      %get3A_156 = arith.index_cast %add3A_130 : i32 to index
      %get3A_157 = arith.constant 48 : index
      %get3A_158 = tpu.vector_load %arg6[%get3A_156, %get3A_157] {strides = array<i32>} : memref<200x64xf32, #tpu.memory_space<vmem>>, vector<1x16xf32>,
      %get3A_159 = vector.shape_cast %get3A_158 : vector<1x16xf32> to vector<16xf32>
      %mul3A_160 = arith.constant 0.00999999977 : f32
      %mul3A_161 = vector.broadcast %mul3A_160 : f32 to vector<16xf32>
      %mul3A_162 = arith.mulf %mul3A_161, %get3A_159 : vector<16xf32>
      %max3A_163 = arith.maximumf %get3A_159, %mul3A_162 : vector<16xf32>
      %add3A_164 = arith.addf %scan3A_126, %max3A_163 : vector<16xf32>
      %mul3A_165 = arith.constant 8 : i32
      %mul3A_166 = arith.muli %scan3A_122, %mul3A_165 : i32
      %add3A_167 = arith.constant 1 : i32
      %add3A_168 = arith.addi %mul3A_166, %add3A_167 : i32
      %get3A_169 = arith.index_cast %add3A_168 : i32 to index
      %get3A_170 = arith.constant 0 : index
      %get3A_171 = tpu.vector_load %arg6[%get3A_169, %get3A_170] {strides = array<i32>} : memref<200x64xf32, #tpu.memory_space<vmem>>, vector<1x16xf32>,
      %get3A_172 = vector.shape_cast %get3A_171 : vector<1x16xf32> to vector<16xf32>
      %mul3A_173 = arith.constant 0.00999999977 : f32
      %mul3A_174 = vector.broadcast %mul3A_173 : f32 to vector<16xf32>
      %mul3A_175 = arith.mulf %mul3A_174, %get3A_172 : vector<16xf32>
      %max3A_176 = arith.maximumf %get3A_172, %mul3A_175 : vector<16xf32>
      %add3A_177 = arith.addf %add3A_137, %max3A_176 : vector<16xf32>
      %get3A_178 = arith.index_cast %add3A_168 : i32 to index
      %get3A_179 = arith.constant 16 : index
      %get3A_180 = tpu.vector_load %arg6[%get3A_178, %get3A_179] {strides = array<i32>} : memref<200x64xf32, #tpu.memory_space<vmem>>, vector<1x16xf32>,
      %get3A_181 = vector.shape_cast %get3A_180 : vector<1x16xf32> to vector<16xf32>
      %mul3A_182 = arith.constant 0.00999999977 : f32
      %mul3A_183 = vector.broadcast %mul3A_182 : f32 to vector<16xf32>
      %mul3A_184 = arith.mulf %mul3A_183, %get3A_181 : vector<16xf32>
      %max3A_185 = arith.maximumf %get3A_181, %mul3A_184 : vector<16xf32>
      %add3A_186 = arith.addf %add3A_146, %max3A_185 : vector<16xf32>
      %get3A_187 = arith.index_cast %add3A_168 : i32 to index
      %get3A_188 = arith.constant 32 : index
      %get3A_189 = tpu.vector_load %arg6[%get3A_187, %get3A_188] {strides = array<i32>} : memref<200x64xf32, #tpu.memory_space<vmem>>, vector<1x16xf32>,
      %get3A_190 = vector.shape_cast %get3A_189 : vector<1x16xf32> to vector<16xf32>
      %mul3A_191 = arith.constant 0.00999999977 : f32
      %mul3A_192 = vector.broadcast %mul3A_191 : f32 to vector<16xf32>
      %mul3A_193 = arith.mulf %mul3A_192, %get3A_190 : vector<16xf32>
      %max3A_194 = arith.maximumf %get3A_190, %mul3A_193 : vector<16xf32>
      %add3A_195 = arith.addf %add3A_155, %max3A_194 : vector<16xf32>
      %get3A_196 = arith.index_cast %add3A_168 : i32 to index
      %get3A_197 = arith.constant 48 : index
      %get3A_198 = tpu.vector_load %arg6[%get3A_196, %get3A_197] {strides = array<i32>} : memref<200x64xf32, #tpu.memory_space<vmem>>, vector<1x16xf32>,
      %get3A_199 = vector.shape_cast %get3A_198 : vector<1x16xf32> to vector<16xf32>
      %mul3A_200 = arith.constant 0.00999999977 : f32
      %mul3A_201 = vector.broadcast %mul3A_200 : f32 to vector<16xf32>
      %mul3A_202 = arith.mulf %mul3A_201, %get3A_199 : vector<16xf32>
      %max3A_203 = arith.maximumf %get3A_199, %mul3A_202 : vector<16xf32>
      %add3A_204 = arith.addf %add3A_164, %max3A_203 : vector<16xf32>
      %mul3A_205 = arith.constant 8 : i32
      %mul3A_206 = arith.muli %scan3A_122, %mul3A_205 : i32
      %add3A_207 = arith.constant 2 : i32
      %add3A_208 = arith.addi %mul3A_206, %add3A_207 : i32
      %get3A_209 = arith.index_cast %add3A_208 : i32 to index
      %get3A_210 = arith.constant 0 : index
      %get3A_211 = tpu.vector_load %arg6[%get3A_209, %get3A_210] {strides = array<i32>} : memref<200x64xf32, #tpu.memory_space<vmem>>, vector<1x16xf32>,
      %get3A_212 = vector.shape_cast %get3A_211 : vector<1x16xf32> to vector<16xf32>
      %mul3A_213 = arith.constant 0.00999999977 : f32
      %mul3A_214 = vector.broadcast %mul3A_213 : f32 to vector<16xf32>
      %mul3A_215 = arith.mulf %mul3A_214, %get3A_212 : vector<16xf32>
      %max3A_216 = arith.maximumf %get3A_212, %mul3A_215 : vector<16xf32>
      %add3A_217 = arith.addf %add3A_177, %max3A_216 : vector<16xf32>
      %get3A_218 = arith.index_cast %add3A_208 : i32 to index
      %get3A_219 = arith.constant 16 : index
      %get3A_220 = tpu.vector_load %arg6[%get3A_218, %get3A_219] {strides = array<i32>} : memref<200x64xf32, #tpu.memory_space<vmem>>, vector<1x16xf32>,
      %get3A_221 = vector.shape_cast %get3A_220 : vector<1x16xf32> to vector<16xf32>
      %mul3A_222 = arith.constant 0.00999999977 : f32
      %mul3A_223 = vector.broadcast %mul3A_222 : f32 to vector<16xf32>
      %mul3A_224 = arith.mulf %mul3A_223, %get3A_221 : vector<16xf32>
      %max3A_225 = arith.maximumf %get3A_221, %mul3A_224 : vector<16xf32>
      %add3A_226 = arith.addf %add3A_186, %max3A_225 : vector<16xf32>
      %get3A_227 = arith.index_cast %add3A_208 : i32 to index
      %get3A_228 = arith.constant 32 : index
      %get3A_229 = tpu.vector_load %arg6[%get3A_227, %get3A_228] {strides = array<i32>} : memref<200x64xf32, #tpu.memory_space<vmem>>, vector<1x16xf32>,
      %get3A_230 = vector.shape_cast %get3A_229 : vector<1x16xf32> to vector<16xf32>
      %mul3A_231 = arith.constant 0.00999999977 : f32
      %mul3A_232 = vector.broadcast %mul3A_231 : f32 to vector<16xf32>
      %mul3A_233 = arith.mulf %mul3A_232, %get3A_230 : vector<16xf32>
      %max3A_234 = arith.maximumf %get3A_230, %mul3A_233 : vector<16xf32>
      %add3A_235 = arith.addf %add3A_195, %max3A_234 : vector<16xf32>
      %get3A_236 = arith.index_cast %add3A_208 : i32 to index
      %get3A_237 = arith.constant 48 : index
      %get3A_238 = tpu.vector_load %arg6[%get3A_236, %get3A_237] {strides = array<i32>} : memref<200x64xf32, #tpu.memory_space<vmem>>, vector<1x16xf32>,
      %get3A_239 = vector.shape_cast %get3A_238 : vector<1x16xf32> to vector<16xf32>
      %mul3A_240 = arith.constant 0.00999999977 : f32
      %mul3A_241 = vector.broadcast %mul3A_240 : f32 to vector<16xf32>
      %mul3A_242 = arith.mulf %mul3A_241, %get3A_239 : vector<16xf32>
      %max3A_243 = arith.maximumf %get3A_239, %mul3A_242 : vector<16xf32>
      %add3A_244 = arith.addf %add3A_204, %max3A_243 : vector<16xf32>
      %mul3A_245 = arith.constant 8 : i32
      %mul3A_246 = arith.muli %scan3A_122, %mul3A_245 : i32
      %add3A_247 = arith.constant 3 : i32
      %add3A_248 = arith.addi %mul3A_246, %add3A_247 : i32
      %get3A_249 = arith.index_cast %add3A_248 : i32 to index
      %get3A_250 = arith.constant 0 : index
      %get3A_251 = tpu.vector_load %arg6[%get3A_249, %get3A_250] {strides = array<i32>} : memref<200x64xf32, #tpu.memory_space<vmem>>, vector<1x16xf32>,
      %get3A_252 = vector.shape_cast %get3A_251 : vector<1x16xf32> to vector<16xf32>
      %mul3A_253 = arith.constant 0.00999999977 : f32
      %mul3A_254 = vector.broadcast %mul3A_253 : f32 to vector<16xf32>
      %mul3A_255 = arith.mulf %mul3A_254, %get3A_252 : vector<16xf32>
      %max3A_256 = arith.maximumf %get3A_252, %mul3A_255 : vector<16xf32>
      %add3A_257 = arith.addf %add3A_217, %max3A_256 : vector<16xf32>
      %get3A_258 = arith.index_cast %add3A_248 : i32 to index
      %get3A_259 = arith.constant 16 : index
      %get3A_260 = tpu.vector_load %arg6[%get3A_258, %get3A_259] {strides = array<i32>} : memref<200x64xf32, #tpu.memory_space<vmem>>, vector<1x16xf32>,
      %get3A_261 = vector.shape_cast %get3A_260 : vector<1x16xf32> to vector<16xf32>
      %mul3A_262 = arith.constant 0.00999999977 : f32
      %mul3A_263 = vector.broadcast %mul3A_262 : f32 to vector<16xf32>
      %mul3A_264 = arith.mulf %mul3A_263, %get3A_261 : vector<16xf32>
      %max3A_265 = arith.maximumf %get3A_261, %mul3A_264 : vector<16xf32>
      %add3A_266 = arith.addf %add3A_226, %max3A_265 : vector<16xf32>
      %get3A_267 = arith.index_cast %add3A_248 : i32 to index
      %get3A_268 = arith.constant 32 : index
      %get3A_269 = tpu.vector_load %arg6[%get3A_267, %get3A_268] {strides = array<i32>} : memref<200x64xf32, #tpu.memory_space<vmem>>, vector<1x16xf32>,
      %get3A_270 = vector.shape_cast %get3A_269 : vector<1x16xf32> to vector<16xf32>
      %mul3A_271 = arith.constant 0.00999999977 : f32
      %mul3A_272 = vector.broadcast %mul3A_271 : f32 to vector<16xf32>
      %mul3A_273 = arith.mulf %mul3A_272, %get3A_270 : vector<16xf32>
      %max3A_274 = arith.maximumf %get3A_270, %mul3A_273 : vector<16xf32>
      %add3A_275 = arith.addf %add3A_235, %max3A_274 : vector<16xf32>
      %get3A_276 = arith.index_cast %add3A_248 : i32 to index
      %get3A_277 = arith.constant 48 : index
      %get3A_278 = tpu.vector_load %arg6[%get3A_276, %get3A_277] {strides = array<i32>} : memref<200x64xf32, #tpu.memory_space<vmem>>, vector<1x16xf32>,
      %get3A_279 = vector.shape_cast %get3A_278 : vector<1x16xf32> to vector<16xf32>
      %mul3A_280 = arith.constant 0.00999999977 : f32
      %mul3A_281 = vector.broadcast %mul3A_280 : f32 to vector<16xf32>
      %mul3A_282 = arith.mulf %mul3A_281, %get3A_279 : vector<16xf32>
      %max3A_283 = arith.maximumf %get3A_279, %mul3A_282 : vector<16xf32>
      %add3A_284 = arith.addf %add3A_244, %max3A_283 : vector<16xf32>
      %mul3A_285 = arith.constant 8 : i32
      %mul3A_286 = arith.muli %scan3A_122, %mul3A_285 : i32
      %add3A_287 = arith.constant 4 : i32
      %add3A_288 = arith.addi %mul3A_286, %add3A_287 : i32
      %get3A_289 = arith.index_cast %add3A_288 : i32 to index
      %get3A_290 = arith.constant 0 : index
      %get3A_291 = tpu.vector_load %arg6[%get3A_289, %get3A_290] {strides = array<i32>} : memref<200x64xf32, #tpu.memory_space<vmem>>, vector<1x16xf32>,
      %get3A_292 = vector.shape_cast %get3A_291 : vector<1x16xf32> to vector<16xf32>
      %mul3A_293 = arith.constant 0.00999999977 : f32
      %mul3A_294 = vector.broadcast %mul3A_293 : f32 to vector<16xf32>
      %mul3A_295 = arith.mulf %mul3A_294, %get3A_292 : vector<16xf32>
      %max3A_296 = arith.maximumf %get3A_292, %mul3A_295 : vector<16xf32>
      %add3A_297 = arith.addf %add3A_257, %max3A_296 : vector<16xf32>
      %get3A_298 = arith.index_cast %add3A_288 : i32 to index
      %get3A_299 = arith.constant 16 : index
      %get3A_300 = tpu.vector_load %arg6[%get3A_298, %get3A_299] {strides = array<i32>} : memref<200x64xf32, #tpu.memory_space<vmem>>, vector<1x16xf32>,
      %get3A_301 = vector.shape_cast %get3A_300 : vector<1x16xf32> to vector<16xf32>
      %mul3A_302 = arith.constant 0.00999999977 : f32
      %mul3A_303 = vector.broadcast %mul3A_302 : f32 to vector<16xf32>
      %mul3A_304 = arith.mulf %mul3A_303, %get3A_301 : vector<16xf32>
      %max3A_305 = arith.maximumf %get3A_301, %mul3A_304 : vector<16xf32>
      %add3A_306 = arith.addf %add3A_266, %max3A_305 : vector<16xf32>
      %get3A_307 = arith.index_cast %add3A_288 : i32 to index
      %get3A_308 = arith.constant 32 : index
      %get3A_309 = tpu.vector_load %arg6[%get3A_307, %get3A_308] {strides = array<i32>} : memref<200x64xf32, #tpu.memory_space<vmem>>, vector<1x16xf32>,
      %get3A_310 = vector.shape_cast %get3A_309 : vector<1x16xf32> to vector<16xf32>
      %mul3A_311 = arith.constant 0.00999999977 : f32
      %mul3A_312 = vector.broadcast %mul3A_311 : f32 to vector<16xf32>
      %mul3A_313 = arith.mulf %mul3A_312, %get3A_310 : vector<16xf32>
      %max3A_314 = arith.maximumf %get3A_310, %mul3A_313 : vector<16xf32>
      %add3A_315 = arith.addf %add3A_275, %max3A_314 : vector<16xf32>
      %get3A_316 = arith.index_cast %add3A_288 : i32 to index
      %get3A_317 = arith.constant 48 : index
      %get3A_318 = tpu.vector_load %arg6[%get3A_316, %get3A_317] {strides = array<i32>} : memref<200x64xf32, #tpu.memory_space<vmem>>, vector<1x16xf32>,
      %get3A_319 = vector.shape_cast %get3A_318 : vector<1x16xf32> to vector<16xf32>
      %mul3A_320 = arith.constant 0.00999999977 : f32
      %mul3A_321 = vector.broadcast %mul3A_320 : f32 to vector<16xf32>
      %mul3A_322 = arith.mulf %mul3A_321, %get3A_319 : vector<16xf32>
      %max3A_323 = arith.maximumf %get3A_319, %mul3A_322 : vector<16xf32>
      %add3A_324 = arith.addf %add3A_284, %max3A_323 : vector<16xf32>
      %mul3A_325 = arith.constant 8 : i32
      %mul3A_326 = arith.muli %scan3A_122, %mul3A_325 : i32
      %add3A_327 = arith.constant 5 : i32
      %add3A_328 = arith.addi %mul3A_326, %add3A_327 : i32
      %get3A_329 = arith.index_cast %add3A_328 : i32 to index
      %get3A_330 = arith.constant 0 : index
      %get3A_331 = tpu.vector_load %arg6[%get3A_329, %get3A_330] {strides = array<i32>} : memref<200x64xf32, #tpu.memory_space<vmem>>, vector<1x16xf32>,
      %get3A_332 = vector.shape_cast %get3A_331 : vector<1x16xf32> to vector<16xf32>
      %mul3A_333 = arith.constant 0.00999999977 : f32
      %mul3A_334 = vector.broadcast %mul3A_333 : f32 to vector<16xf32>
      %mul3A_335 = arith.mulf %mul3A_334, %get3A_332 : vector<16xf32>
      %max3A_336 = arith.maximumf %get3A_332, %mul3A_335 : vector<16xf32>
      %add3A_337 = arith.addf %add3A_297, %max3A_336 : vector<16xf32>
      %get3A_338 = arith.index_cast %add3A_328 : i32 to index
      %get3A_339 = arith.constant 16 : index
      %get3A_340 = tpu.vector_load %arg6[%get3A_338, %get3A_339] {strides = array<i32>} : memref<200x64xf32, #tpu.memory_space<vmem>>, vector<1x16xf32>,
      %get3A_341 = vector.shape_cast %get3A_340 : vector<1x16xf32> to vector<16xf32>
      %mul3A_342 = arith.constant 0.00999999977 : f32
      %mul3A_343 = vector.broadcast %mul3A_342 : f32 to vector<16xf32>
      %mul3A_344 = arith.mulf %mul3A_343, %get3A_341 : vector<16xf32>
      %max3A_345 = arith.maximumf %get3A_341, %mul3A_344 : vector<16xf32>
      %add3A_346 = arith.addf %add3A_306, %max3A_345 : vector<16xf32>
      %get3A_347 = arith.index_cast %add3A_328 : i32 to index
      %get3A_348 = arith.constant 32 : index
      %get3A_349 = tpu.vector_load %arg6[%get3A_347, %get3A_348] {strides = array<i32>} : memref<200x64xf32, #tpu.memory_space<vmem>>, vector<1x16xf32>,
      %get3A_350 = vector.shape_cast %get3A_349 : vector<1x16xf32> to vector<16xf32>
      %mul3A_351 = arith.constant 0.00999999977 : f32
      %mul3A_352 = vector.broadcast %mul3A_351 : f32 to vector<16xf32>
      %mul3A_353 = arith.mulf %mul3A_352, %get3A_350 : vector<16xf32>
      %max3A_354 = arith.maximumf %get3A_350, %mul3A_353 : vector<16xf32>
      %add3A_355 = arith.addf %add3A_315, %max3A_354 : vector<16xf32>
      %get3A_356 = arith.index_cast %add3A_328 : i32 to index
      %get3A_357 = arith.constant 48 : index
      %get3A_358 = tpu.vector_load %arg6[%get3A_356, %get3A_357] {strides = array<i32>} : memref<200x64xf32, #tpu.memory_space<vmem>>, vector<1x16xf32>,
      %get3A_359 = vector.shape_cast %get3A_358 : vector<1x16xf32> to vector<16xf32>
      %mul3A_360 = arith.constant 0.00999999977 : f32
      %mul3A_361 = vector.broadcast %mul3A_360 : f32 to vector<16xf32>
      %mul3A_362 = arith.mulf %mul3A_361, %get3A_359 : vector<16xf32>
      %max3A_363 = arith.maximumf %get3A_359, %mul3A_362 : vector<16xf32>
      %add3A_364 = arith.addf %add3A_324, %max3A_363 : vector<16xf32>
      %mul3A_365 = arith.constant 8 : i32
      %mul3A_366 = arith.muli %scan3A_122, %mul3A_365 : i32
      %add3A_367 = arith.constant 6 : i32
      %add3A_368 = arith.addi %mul3A_366, %add3A_367 : i32
      %get3A_369 = arith.index_cast %add3A_368 : i32 to index
      %get3A_370 = arith.constant 0 : index
      %get3A_371 = tpu.vector_load %arg6[%get3A_369, %get3A_370] {strides = array<i32>} : memref<200x64xf32, #tpu.memory_space<vmem>>, vector<1x16xf32>,
      %get3A_372 = vector.shape_cast %get3A_371 : vector<1x16xf32> to vector<16xf32>
      %mul3A_373 = arith.constant 0.00999999977 : f32
      %mul3A_374 = vector.broadcast %mul3A_373 : f32 to vector<16xf32>
      %mul3A_375 = arith.mulf %mul3A_374, %get3A_372 : vector<16xf32>
      %max3A_376 = arith.maximumf %get3A_372, %mul3A_375 : vector<16xf32>
      %add3A_377 = arith.addf %add3A_337, %max3A_376 : vector<16xf32>
      %get3A_378 = arith.index_cast %add3A_368 : i32 to index
      %get3A_379 = arith.constant 16 : index
      %get3A_380 = tpu.vector_load %arg6[%get3A_378, %get3A_379] {strides = array<i32>} : memref<200x64xf32, #tpu.memory_space<vmem>>, vector<1x16xf32>,
      %get3A_381 = vector.shape_cast %get3A_380 : vector<1x16xf32> to vector<16xf32>
      %mul3A_382 = arith.constant 0.00999999977 : f32
      %mul3A_383 = vector.broadcast %mul3A_382 : f32 to vector<16xf32>
      %mul3A_384 = arith.mulf %mul3A_383, %get3A_381 : vector<16xf32>
      %max3A_385 = arith.maximumf %get3A_381, %mul3A_384 : vector<16xf32>
      %add3A_386 = arith.addf %add3A_346, %max3A_385 : vector<16xf32>
      %get3A_387 = arith.index_cast %add3A_368 : i32 to index
      %get3A_388 = arith.constant 32 : index
      %get3A_389 = tpu.vector_load %arg6[%get3A_387, %get3A_388] {strides = array<i32>} : memref<200x64xf32, #tpu.memory_space<vmem>>, vector<1x16xf32>,
      %get3A_390 = vector.shape_cast %get3A_389 : vector<1x16xf32> to vector<16xf32>
      %mul3A_391 = arith.constant 0.00999999977 : f32
      %mul3A_392 = vector.broadcast %mul3A_391 : f32 to vector<16xf32>
      %mul3A_393 = arith.mulf %mul3A_392, %get3A_390 : vector<16xf32>
      %max3A_394 = arith.maximumf %get3A_390, %mul3A_393 : vector<16xf32>
      %add3A_395 = arith.addf %add3A_355, %max3A_394 : vector<16xf32>
      %get3A_396 = arith.index_cast %add3A_368 : i32 to index
      %get3A_397 = arith.constant 48 : index
      %get3A_398 = tpu.vector_load %arg6[%get3A_396, %get3A_397] {strides = array<i32>} : memref<200x64xf32, #tpu.memory_space<vmem>>, vector<1x16xf32>,
      %get3A_399 = vector.shape_cast %get3A_398 : vector<1x16xf32> to vector<16xf32>
      %mul3A_400 = arith.constant 0.00999999977 : f32
      %mul3A_401 = vector.broadcast %mul3A_400 : f32 to vector<16xf32>
      %mul3A_402 = arith.mulf %mul3A_401, %get3A_399 : vector<16xf32>
      %max3A_403 = arith.maximumf %get3A_399, %mul3A_402 : vector<16xf32>
      %add3A_404 = arith.addf %add3A_364, %max3A_403 : vector<16xf32>
      %mul3A_405 = arith.constant 8 : i32
      %mul3A_406 = arith.muli %scan3A_122, %mul3A_405 : i32
      %add3A_407 = arith.constant 7 : i32
      %add3A_408 = arith.addi %mul3A_406, %add3A_407 : i32
      %get3A_409 = arith.index_cast %add3A_408 : i32 to index
      %get3A_410 = arith.constant 0 : index
      %get3A_411 = tpu.vector_load %arg6[%get3A_409, %get3A_410] {strides = array<i32>} : memref<200x64xf32, #tpu.memory_space<vmem>>, vector<1x16xf32>,
      %get3A_412 = vector.shape_cast %get3A_411 : vector<1x16xf32> to vector<16xf32>
      %mul3A_413 = arith.constant 0.00999999977 : f32
      %mul3A_414 = vector.broadcast %mul3A_413 : f32 to vector<16xf32>
      %mul3A_415 = arith.mulf %mul3A_414, %get3A_412 : vector<16xf32>
      %max3A_416 = arith.maximumf %get3A_412, %mul3A_415 : vector<16xf32>
      %add3A_417 = arith.addf %add3A_377, %max3A_416 : vector<16xf32>
      %get3A_418 = arith.index_cast %add3A_408 : i32 to index
      %get3A_419 = arith.constant 16 : index
      %get3A_420 = tpu.vector_load %arg6[%get3A_418, %get3A_419] {strides = array<i32>} : memref<200x64xf32, #tpu.memory_space<vmem>>, vector<1x16xf32>,
      %get3A_421 = vector.shape_cast %get3A_420 : vector<1x16xf32> to vector<16xf32>
      %mul3A_422 = arith.constant 0.00999999977 : f32
      %mul3A_423 = vector.broadcast %mul3A_422 : f32 to vector<16xf32>
      %mul3A_424 = arith.mulf %mul3A_423, %get3A_421 : vector<16xf32>
      %max3A_425 = arith.maximumf %get3A_421, %mul3A_424 : vector<16xf32>
      %add3A_426 = arith.addf %add3A_386, %max3A_425 : vector<16xf32>
      %get3A_427 = arith.index_cast %add3A_408 : i32 to index
      %get3A_428 = arith.constant 32 : index
      %get3A_429 = tpu.vector_load %arg6[%get3A_427, %get3A_428] {strides = array<i32>} : memref<200x64xf32, #tpu.memory_space<vmem>>, vector<1x16xf32>,
      %get3A_430 = vector.shape_cast %get3A_429 : vector<1x16xf32> to vector<16xf32>
      %mul3A_431 = arith.constant 0.00999999977 : f32
      %mul3A_432 = vector.broadcast %mul3A_431 : f32 to vector<16xf32>
      %mul3A_433 = arith.mulf %mul3A_432, %get3A_430 : vector<16xf32>
      %max3A_434 = arith.maximumf %get3A_430, %mul3A_433 : vector<16xf32>
      %add3A_435 = arith.addf %add3A_395, %max3A_434 : vector<16xf32>
      %get3A_436 = arith.index_cast %add3A_408 : i32 to index
      %get3A_437 = arith.constant 48 : index
      %get3A_438 = tpu.vector_load %arg6[%get3A_436, %get3A_437] {strides = array<i32>} : memref<200x64xf32, #tpu.memory_space<vmem>>, vector<1x16xf32>,
      %get3A_439 = vector.shape_cast %get3A_438 : vector<1x16xf32> to vector<16xf32>
      %mul3A_440 = arith.constant 0.00999999977 : f32
      %mul3A_441 = vector.broadcast %mul3A_440 : f32 to vector<16xf32>
      %mul3A_442 = arith.mulf %mul3A_441, %get3A_439 : vector<16xf32>
      %max3A_443 = arith.maximumf %get3A_439, %mul3A_442 : vector<16xf32>
      %add3A_444 = arith.addf %add3A_404, %max3A_443 : vector<16xf32>
      scf.yield %add3A_417, %add3A_426, %add3A_435, %add3A_444 : vector<16xf32>, vector<16xf32>, vector<16xf32>, vector<16xf32>
    }
    %scan3A_59 = arith.constant 25 : i32
    %swap3A = arith.constant 126 : i32
    %swap3A_60 = arith.index_cast %swap3A : i32 to index
    %swap3A_61 = arith.constant 0 : index
    %swap3A_62 = tpu.vector_load %arg8[%swap3A_60, %swap3A_61] {strides = array<i32>} : memref<128x64xf32, #tpu.memory_space<vmem>>, vector<1x16xf32>,
    %swap3A_63 = vector.shape_cast %swap3A_62 : vector<1x16xf32> to vector<16xf32>
    %swap3A_64 = vector.shape_cast %scan3A_58#0 : vector<16xf32> to vector<1x16xf32>
    tpu.vector_store %arg8[%swap3A_60, %swap3A_61], %swap3A_64 {strides = array<i32>} : memref<128x64xf32, #tpu.memory_space<vmem>>, vector<1x16xf32>,
    %swap3A_65 = arith.constant 126 : i32
    %swap3A_66 = arith.index_cast %swap3A_65 : i32 to index
    %swap3A_67 = arith.constant 16 : index
    %swap3A_68 = tpu.vector_load %arg8[%swap3A_66, %swap3A_67] {strides = array<i32>} : memref<128x64xf32, #tpu.memory_space<vmem>>, vector<1x16xf32>,
    %swap3A_69 = vector.shape_cast %swap3A_68 : vector<1x16xf32> to vector<16xf32>
    %swap3A_70 = vector.shape_cast %scan3A_58#1 : vector<16xf32> to vector<1x16xf32>
    tpu.vector_store %arg8[%swap3A_66, %swap3A_67], %swap3A_70 {strides = array<i32>} : memref<128x64xf32, #tpu.memory_space<vmem>>, vector<1x16xf32>,
    %swap3A_71 = arith.constant 126 : i32
    %swap3A_72 = arith.index_cast %swap3A_71 : i32 to index
    %swap3A_73 = arith.constant 32 : index
    %swap3A_74 = tpu.vector_load %arg8[%swap3A_72, %swap3A_73] {strides = array<i32>} : memref<128x64xf32, #tpu.memory_space<vmem>>, vector<1x16xf32>,
    %swap3A_75 = vector.shape_cast %swap3A_74 : vector<1x16xf32> to vector<16xf32>
    %swap3A_76 = vector.shape_cast %scan3A_58#2 : vector<16xf32> to vector<1x16xf32>
    tpu.vector_store %arg8[%swap3A_72, %swap3A_73], %swap3A_76 {strides = array<i32>} : memref<128x64xf32, #tpu.memory_space<vmem>>, vector<1x16xf32>,
    %swap3A_77 = arith.constant 126 : i32
    %swap3A_78 = arith.index_cast %swap3A_77 : i32 to index
    %swap3A_79 = arith.constant 48 : index
    %swap3A_80 = tpu.vector_load %arg8[%swap3A_78, %swap3A_79] {strides = array<i32>} : memref<128x64xf32, #tpu.memory_space<vmem>>, vector<1x16xf32>,
    %swap3A_81 = vector.shape_cast %swap3A_80 : vector<1x16xf32> to vector<16xf32>
    %swap3A_82 = vector.shape_cast %scan3A_58#3 : vector<16xf32> to vector<1x16xf32>
    tpu.vector_store %arg8[%swap3A_78, %swap3A_79], %swap3A_82 {strides = array<i32>} : memref<128x64xf32, #tpu.memory_space<vmem>>, vector<1x16xf32>,
    %dma_wait3A_83 = arith.constant 0 : i32
    %dma_wait3A_84 = arith.constant 0 : i32
    %dma_wait3A_85 = tpu.memref_slice %arg5[%dma_wait3A_83, %dma_wait3A_84] : memref<128x200xi32, #tpu.memory_space<vmem>> -> memref<1x200xi32, #tpu.memory_space<vmem>>
    %dma_wait3A_86 = tpu.memref_squeeze %dma_wait3A_85 : memref<1x200xi32, #tpu.memory_space<vmem>> -> memref<200xi32, #tpu.memory_space<vmem>>
    %dma_wait3A_87 = arith.constant 0 : i32
    %dma_wait3A_88 = arith.constant 0 : i32
    %dma_wait3A_89 = tpu.memref_slice %arg3[%dma_wait3A_87, %dma_wait3A_88] : memref<1000000x64xf32, #tpu.memory_space<hbm>> -> memref<1000000x64xf32, #tpu.memory_space<hbm>>
    tpu.wait_indirect_dma semaphore(%arg10 : memref<!tpu.dma_semaphore, #tpu.memory_space<semaphore_mem>>) src(%dma_wait3A_89 : memref<1000000x64xf32, #tpu.memory_space<hbm>>) dst(%arg7 : memref<200x64xf32, #tpu.memory_space<vmem>>)
    %broadcast_in_dim3A_90 = arith.constant 0.000000e+00 : f32
    %broadcast_in_dim3A_91 = vector.broadcast %broadcast_in_dim3A_90 : f32 to vector<16xf32>
    %scan3A_92 = arith.constant 0 : i32
    %scan3A_93 = arith.constant 25 : i32
    %scan3A_94 = arith.addi %scan3A_92, %scan3A_93 : i32
    %scan3A_95 = arith.constant 1 : i32
    %scan3A_96:4 = scf.for %scan3A_122 = %scan3A_92 to %scan3A_94 step %scan3A_95 iter_args(%scan3A_123 = %broadcast_in_dim3A_91, %scan3A_124 = %broadcast_in_dim3A_91, %scan3A_125 = %broadcast_in_dim3A_91, %scan3A_126 = %broadcast_in_dim3A_91) -> (vector<16xf32>, vector<16xf32>, vector<16xf32>, vector<16xf32>)  : i32 {
      %mul3A_127 = arith.constant 8 : i32
      %mul3A_128 = arith.muli %scan3A_122, %mul3A_127 : i32
      %add3A_129 = arith.constant 0 : i32
      %add3A_130 = arith.addi %mul3A_128, %add3A_129 : i32
      %get3A = arith.index_cast %add3A_130 : i32 to index
      %get3A_131 = arith.constant 0 : index
      %get3A_132 = tpu.vector_load %arg7[%get3A, %get3A_131] {strides = array<i32>} : memref<200x64xf32, #tpu.memory_space<vmem>>, vector<1x16xf32>,
      %get3A_133 = vector.shape_cast %get3A_132 : vector<1x16xf32> to vector<16xf32>
      %mul3A_134 = arith.constant 0.00999999977 : f32
      %mul3A_135 = vector.broadcast %mul3A_134 : f32 to vector<16xf32>
      %mul3A_136 = arith.mulf %mul3A_135, %get3A_133 : vector<16xf32>
      %max3A = arith.maximumf %get3A_133, %mul3A_136 : vector<16xf32>
      %add3A_137 = arith.addf %scan3A_123, %max3A : vector<16xf32>
      %get3A_138 = arith.index_cast %add3A_130 : i32 to index
      %get3A_139 = arith.constant 16 : index
      %get3A_140 = tpu.vector_load %arg7[%get3A_138, %get3A_139] {strides = array<i32>} : memref<200x64xf32, #tpu.memory_space<vmem>>, vector<1x16xf32>,
      %get3A_141 = vector.shape_cast %get3A_140 : vector<1x16xf32> to vector<16xf32>
      %mul3A_142 = arith.constant 0.00999999977 : f32
      %mul3A_143 = vector.broadcast %mul3A_142 : f32 to vector<16xf32>
      %mul3A_144 = arith.mulf %mul3A_143, %get3A_141 : vector<16xf32>
      %max3A_145 = arith.maximumf %get3A_141, %mul3A_144 : vector<16xf32>
      %add3A_146 = arith.addf %scan3A_124, %max3A_145 : vector<16xf32>
      %get3A_147 = arith.index_cast %add3A_130 : i32 to index
      %get3A_148 = arith.constant 32 : index
      %get3A_149 = tpu.vector_load %arg7[%get3A_147, %get3A_148] {strides = array<i32>} : memref<200x64xf32, #tpu.memory_space<vmem>>, vector<1x16xf32>,
      %get3A_150 = vector.shape_cast %get3A_149 : vector<1x16xf32> to vector<16xf32>
      %mul3A_151 = arith.constant 0.00999999977 : f32
      %mul3A_152 = vector.broadcast %mul3A_151 : f32 to vector<16xf32>
      %mul3A_153 = arith.mulf %mul3A_152, %get3A_150 : vector<16xf32>
      %max3A_154 = arith.maximumf %get3A_150, %mul3A_153 : vector<16xf32>
      %add3A_155 = arith.addf %scan3A_125, %max3A_154 : vector<16xf32>
      %get3A_156 = arith.index_cast %add3A_130 : i32 to index
      %get3A_157 = arith.constant 48 : index
      %get3A_158 = tpu.vector_load %arg7[%get3A_156, %get3A_157] {strides = array<i32>} : memref<200x64xf32, #tpu.memory_space<vmem>>, vector<1x16xf32>,
      %get3A_159 = vector.shape_cast %get3A_158 : vector<1x16xf32> to vector<16xf32>
      %mul3A_160 = arith.constant 0.00999999977 : f32
      %mul3A_161 = vector.broadcast %mul3A_160 : f32 to vector<16xf32>
      %mul3A_162 = arith.mulf %mul3A_161, %get3A_159 : vector<16xf32>
      %max3A_163 = arith.maximumf %get3A_159, %mul3A_162 : vector<16xf32>
      %add3A_164 = arith.addf %scan3A_126, %max3A_163 : vector<16xf32>
      %mul3A_165 = arith.constant 8 : i32
      %mul3A_166 = arith.muli %scan3A_122, %mul3A_165 : i32
      %add3A_167 = arith.constant 1 : i32
      %add3A_168 = arith.addi %mul3A_166, %add3A_167 : i32
      %get3A_169 = arith.index_cast %add3A_168 : i32 to index
      %get3A_170 = arith.constant 0 : index
      %get3A_171 = tpu.vector_load %arg7[%get3A_169, %get3A_170] {strides = array<i32>} : memref<200x64xf32, #tpu.memory_space<vmem>>, vector<1x16xf32>,
      %get3A_172 = vector.shape_cast %get3A_171 : vector<1x16xf32> to vector<16xf32>
      %mul3A_173 = arith.constant 0.00999999977 : f32
      %mul3A_174 = vector.broadcast %mul3A_173 : f32 to vector<16xf32>
      %mul3A_175 = arith.mulf %mul3A_174, %get3A_172 : vector<16xf32>
      %max3A_176 = arith.maximumf %get3A_172, %mul3A_175 : vector<16xf32>
      %add3A_177 = arith.addf %add3A_137, %max3A_176 : vector<16xf32>
      %get3A_178 = arith.index_cast %add3A_168 : i32 to index
      %get3A_179 = arith.constant 16 : index
      %get3A_180 = tpu.vector_load %arg7[%get3A_178, %get3A_179] {strides = array<i32>} : memref<200x64xf32, #tpu.memory_space<vmem>>, vector<1x16xf32>,
      %get3A_181 = vector.shape_cast %get3A_180 : vector<1x16xf32> to vector<16xf32>
      %mul3A_182 = arith.constant 0.00999999977 : f32
      %mul3A_183 = vector.broadcast %mul3A_182 : f32 to vector<16xf32>
      %mul3A_184 = arith.mulf %mul3A_183, %get3A_181 : vector<16xf32>
      %max3A_185 = arith.maximumf %get3A_181, %mul3A_184 : vector<16xf32>
      %add3A_186 = arith.addf %add3A_146, %max3A_185 : vector<16xf32>
      %get3A_187 = arith.index_cast %add3A_168 : i32 to index
      %get3A_188 = arith.constant 32 : index
      %get3A_189 = tpu.vector_load %arg7[%get3A_187, %get3A_188] {strides = array<i32>} : memref<200x64xf32, #tpu.memory_space<vmem>>, vector<1x16xf32>,
      %get3A_190 = vector.shape_cast %get3A_189 : vector<1x16xf32> to vector<16xf32>
      %mul3A_191 = arith.constant 0.00999999977 : f32
      %mul3A_192 = vector.broadcast %mul3A_191 : f32 to vector<16xf32>
      %mul3A_193 = arith.mulf %mul3A_192, %get3A_190 : vector<16xf32>
      %max3A_194 = arith.maximumf %get3A_190, %mul3A_193 : vector<16xf32>
      %add3A_195 = arith.addf %add3A_155, %max3A_194 : vector<16xf32>
      %get3A_196 = arith.index_cast %add3A_168 : i32 to index
      %get3A_197 = arith.constant 48 : index
      %get3A_198 = tpu.vector_load %arg7[%get3A_196, %get3A_197] {strides = array<i32>} : memref<200x64xf32, #tpu.memory_space<vmem>>, vector<1x16xf32>,
      %get3A_199 = vector.shape_cast %get3A_198 : vector<1x16xf32> to vector<16xf32>
      %mul3A_200 = arith.constant 0.00999999977 : f32
      %mul3A_201 = vector.broadcast %mul3A_200 : f32 to vector<16xf32>
      %mul3A_202 = arith.mulf %mul3A_201, %get3A_199 : vector<16xf32>
      %max3A_203 = arith.maximumf %get3A_199, %mul3A_202 : vector<16xf32>
      %add3A_204 = arith.addf %add3A_164, %max3A_203 : vector<16xf32>
      %mul3A_205 = arith.constant 8 : i32
      %mul3A_206 = arith.muli %scan3A_122, %mul3A_205 : i32
      %add3A_207 = arith.constant 2 : i32
      %add3A_208 = arith.addi %mul3A_206, %add3A_207 : i32
      %get3A_209 = arith.index_cast %add3A_208 : i32 to index
      %get3A_210 = arith.constant 0 : index
      %get3A_211 = tpu.vector_load %arg7[%get3A_209, %get3A_210] {strides = array<i32>} : memref<200x64xf32, #tpu.memory_space<vmem>>, vector<1x16xf32>,
      %get3A_212 = vector.shape_cast %get3A_211 : vector<1x16xf32> to vector<16xf32>
      %mul3A_213 = arith.constant 0.00999999977 : f32
      %mul3A_214 = vector.broadcast %mul3A_213 : f32 to vector<16xf32>
      %mul3A_215 = arith.mulf %mul3A_214, %get3A_212 : vector<16xf32>
      %max3A_216 = arith.maximumf %get3A_212, %mul3A_215 : vector<16xf32>
      %add3A_217 = arith.addf %add3A_177, %max3A_216 : vector<16xf32>
      %get3A_218 = arith.index_cast %add3A_208 : i32 to index
      %get3A_219 = arith.constant 16 : index
      %get3A_220 = tpu.vector_load %arg7[%get3A_218, %get3A_219] {strides = array<i32>} : memref<200x64xf32, #tpu.memory_space<vmem>>, vector<1x16xf32>,
      %get3A_221 = vector.shape_cast %get3A_220 : vector<1x16xf32> to vector<16xf32>
      %mul3A_222 = arith.constant 0.00999999977 : f32
      %mul3A_223 = vector.broadcast %mul3A_222 : f32 to vector<16xf32>
      %mul3A_224 = arith.mulf %mul3A_223, %get3A_221 : vector<16xf32>
      %max3A_225 = arith.maximumf %get3A_221, %mul3A_224 : vector<16xf32>
      %add3A_226 = arith.addf %add3A_186, %max3A_225 : vector<16xf32>
      %get3A_227 = arith.index_cast %add3A_208 : i32 to index
      %get3A_228 = arith.constant 32 : index
      %get3A_229 = tpu.vector_load %arg7[%get3A_227, %get3A_228] {strides = array<i32>} : memref<200x64xf32, #tpu.memory_space<vmem>>, vector<1x16xf32>,
      %get3A_230 = vector.shape_cast %get3A_229 : vector<1x16xf32> to vector<16xf32>
      %mul3A_231 = arith.constant 0.00999999977 : f32
      %mul3A_232 = vector.broadcast %mul3A_231 : f32 to vector<16xf32>
      %mul3A_233 = arith.mulf %mul3A_232, %get3A_230 : vector<16xf32>
      %max3A_234 = arith.maximumf %get3A_230, %mul3A_233 : vector<16xf32>
      %add3A_235 = arith.addf %add3A_195, %max3A_234 : vector<16xf32>
      %get3A_236 = arith.index_cast %add3A_208 : i32 to index
      %get3A_237 = arith.constant 48 : index
      %get3A_238 = tpu.vector_load %arg7[%get3A_236, %get3A_237] {strides = array<i32>} : memref<200x64xf32, #tpu.memory_space<vmem>>, vector<1x16xf32>,
      %get3A_239 = vector.shape_cast %get3A_238 : vector<1x16xf32> to vector<16xf32>
      %mul3A_240 = arith.constant 0.00999999977 : f32
      %mul3A_241 = vector.broadcast %mul3A_240 : f32 to vector<16xf32>
      %mul3A_242 = arith.mulf %mul3A_241, %get3A_239 : vector<16xf32>
      %max3A_243 = arith.maximumf %get3A_239, %mul3A_242 : vector<16xf32>
      %add3A_244 = arith.addf %add3A_204, %max3A_243 : vector<16xf32>
      %mul3A_245 = arith.constant 8 : i32
      %mul3A_246 = arith.muli %scan3A_122, %mul3A_245 : i32
      %add3A_247 = arith.constant 3 : i32
      %add3A_248 = arith.addi %mul3A_246, %add3A_247 : i32
      %get3A_249 = arith.index_cast %add3A_248 : i32 to index
      %get3A_250 = arith.constant 0 : index
      %get3A_251 = tpu.vector_load %arg7[%get3A_249, %get3A_250] {strides = array<i32>} : memref<200x64xf32, #tpu.memory_space<vmem>>, vector<1x16xf32>,
      %get3A_252 = vector.shape_cast %get3A_251 : vector<1x16xf32> to vector<16xf32>
      %mul3A_253 = arith.constant 0.00999999977 : f32
      %mul3A_254 = vector.broadcast %mul3A_253 : f32 to vector<16xf32>
      %mul3A_255 = arith.mulf %mul3A_254, %get3A_252 : vector<16xf32>
      %max3A_256 = arith.maximumf %get3A_252, %mul3A_255 : vector<16xf32>
      %add3A_257 = arith.addf %add3A_217, %max3A_256 : vector<16xf32>
      %get3A_258 = arith.index_cast %add3A_248 : i32 to index
      %get3A_259 = arith.constant 16 : index
      %get3A_260 = tpu.vector_load %arg7[%get3A_258, %get3A_259] {strides = array<i32>} : memref<200x64xf32, #tpu.memory_space<vmem>>, vector<1x16xf32>,
      %get3A_261 = vector.shape_cast %get3A_260 : vector<1x16xf32> to vector<16xf32>
      %mul3A_262 = arith.constant 0.00999999977 : f32
      %mul3A_263 = vector.broadcast %mul3A_262 : f32 to vector<16xf32>
      %mul3A_264 = arith.mulf %mul3A_263, %get3A_261 : vector<16xf32>
      %max3A_265 = arith.maximumf %get3A_261, %mul3A_264 : vector<16xf32>
      %add3A_266 = arith.addf %add3A_226, %max3A_265 : vector<16xf32>
      %get3A_267 = arith.index_cast %add3A_248 : i32 to index
      %get3A_268 = arith.constant 32 : index
      %get3A_269 = tpu.vector_load %arg7[%get3A_267, %get3A_268] {strides = array<i32>} : memref<200x64xf32, #tpu.memory_space<vmem>>, vector<1x16xf32>,
      %get3A_270 = vector.shape_cast %get3A_269 : vector<1x16xf32> to vector<16xf32>
      %mul3A_271 = arith.constant 0.00999999977 : f32
      %mul3A_272 = vector.broadcast %mul3A_271 : f32 to vector<16xf32>
      %mul3A_273 = arith.mulf %mul3A_272, %get3A_270 : vector<16xf32>
      %max3A_274 = arith.maximumf %get3A_270, %mul3A_273 : vector<16xf32>
      %add3A_275 = arith.addf %add3A_235, %max3A_274 : vector<16xf32>
      %get3A_276 = arith.index_cast %add3A_248 : i32 to index
      %get3A_277 = arith.constant 48 : index
      %get3A_278 = tpu.vector_load %arg7[%get3A_276, %get3A_277] {strides = array<i32>} : memref<200x64xf32, #tpu.memory_space<vmem>>, vector<1x16xf32>,
      %get3A_279 = vector.shape_cast %get3A_278 : vector<1x16xf32> to vector<16xf32>
      %mul3A_280 = arith.constant 0.00999999977 : f32
      %mul3A_281 = vector.broadcast %mul3A_280 : f32 to vector<16xf32>
      %mul3A_282 = arith.mulf %mul3A_281, %get3A_279 : vector<16xf32>
      %max3A_283 = arith.maximumf %get3A_279, %mul3A_282 : vector<16xf32>
      %add3A_284 = arith.addf %add3A_244, %max3A_283 : vector<16xf32>
      %mul3A_285 = arith.constant 8 : i32
      %mul3A_286 = arith.muli %scan3A_122, %mul3A_285 : i32
      %add3A_287 = arith.constant 4 : i32
      %add3A_288 = arith.addi %mul3A_286, %add3A_287 : i32
      %get3A_289 = arith.index_cast %add3A_288 : i32 to index
      %get3A_290 = arith.constant 0 : index
      %get3A_291 = tpu.vector_load %arg7[%get3A_289, %get3A_290] {strides = array<i32>} : memref<200x64xf32, #tpu.memory_space<vmem>>, vector<1x16xf32>,
      %get3A_292 = vector.shape_cast %get3A_291 : vector<1x16xf32> to vector<16xf32>
      %mul3A_293 = arith.constant 0.00999999977 : f32
      %mul3A_294 = vector.broadcast %mul3A_293 : f32 to vector<16xf32>
      %mul3A_295 = arith.mulf %mul3A_294, %get3A_292 : vector<16xf32>
      %max3A_296 = arith.maximumf %get3A_292, %mul3A_295 : vector<16xf32>
      %add3A_297 = arith.addf %add3A_257, %max3A_296 : vector<16xf32>
      %get3A_298 = arith.index_cast %add3A_288 : i32 to index
      %get3A_299 = arith.constant 16 : index
      %get3A_300 = tpu.vector_load %arg7[%get3A_298, %get3A_299] {strides = array<i32>} : memref<200x64xf32, #tpu.memory_space<vmem>>, vector<1x16xf32>,
      %get3A_301 = vector.shape_cast %get3A_300 : vector<1x16xf32> to vector<16xf32>
      %mul3A_302 = arith.constant 0.00999999977 : f32
      %mul3A_303 = vector.broadcast %mul3A_302 : f32 to vector<16xf32>
      %mul3A_304 = arith.mulf %mul3A_303, %get3A_301 : vector<16xf32>
      %max3A_305 = arith.maximumf %get3A_301, %mul3A_304 : vector<16xf32>
      %add3A_306 = arith.addf %add3A_266, %max3A_305 : vector<16xf32>
      %get3A_307 = arith.index_cast %add3A_288 : i32 to index
      %get3A_308 = arith.constant 32 : index
      %get3A_309 = tpu.vector_load %arg7[%get3A_307, %get3A_308] {strides = array<i32>} : memref<200x64xf32, #tpu.memory_space<vmem>>, vector<1x16xf32>,
      %get3A_310 = vector.shape_cast %get3A_309 : vector<1x16xf32> to vector<16xf32>
      %mul3A_311 = arith.constant 0.00999999977 : f32
      %mul3A_312 = vector.broadcast %mul3A_311 : f32 to vector<16xf32>
      %mul3A_313 = arith.mulf %mul3A_312, %get3A_310 : vector<16xf32>
      %max3A_314 = arith.maximumf %get3A_310, %mul3A_313 : vector<16xf32>
      %add3A_315 = arith.addf %add3A_275, %max3A_314 : vector<16xf32>
      %get3A_316 = arith.index_cast %add3A_288 : i32 to index
      %get3A_317 = arith.constant 48 : index
      %get3A_318 = tpu.vector_load %arg7[%get3A_316, %get3A_317] {strides = array<i32>} : memref<200x64xf32, #tpu.memory_space<vmem>>, vector<1x16xf32>,
      %get3A_319 = vector.shape_cast %get3A_318 : vector<1x16xf32> to vector<16xf32>
      %mul3A_320 = arith.constant 0.00999999977 : f32
      %mul3A_321 = vector.broadcast %mul3A_320 : f32 to vector<16xf32>
      %mul3A_322 = arith.mulf %mul3A_321, %get3A_319 : vector<16xf32>
      %max3A_323 = arith.maximumf %get3A_319, %mul3A_322 : vector<16xf32>
      %add3A_324 = arith.addf %add3A_284, %max3A_323 : vector<16xf32>
      %mul3A_325 = arith.constant 8 : i32
      %mul3A_326 = arith.muli %scan3A_122, %mul3A_325 : i32
      %add3A_327 = arith.constant 5 : i32
      %add3A_328 = arith.addi %mul3A_326, %add3A_327 : i32
      %get3A_329 = arith.index_cast %add3A_328 : i32 to index
      %get3A_330 = arith.constant 0 : index
      %get3A_331 = tpu.vector_load %arg7[%get3A_329, %get3A_330] {strides = array<i32>} : memref<200x64xf32, #tpu.memory_space<vmem>>, vector<1x16xf32>,
      %get3A_332 = vector.shape_cast %get3A_331 : vector<1x16xf32> to vector<16xf32>
      %mul3A_333 = arith.constant 0.00999999977 : f32
      %mul3A_334 = vector.broadcast %mul3A_333 : f32 to vector<16xf32>
      %mul3A_335 = arith.mulf %mul3A_334, %get3A_332 : vector<16xf32>
      %max3A_336 = arith.maximumf %get3A_332, %mul3A_335 : vector<16xf32>
      %add3A_337 = arith.addf %add3A_297, %max3A_336 : vector<16xf32>
      %get3A_338 = arith.index_cast %add3A_328 : i32 to index
      %get3A_339 = arith.constant 16 : index
      %get3A_340 = tpu.vector_load %arg7[%get3A_338, %get3A_339] {strides = array<i32>} : memref<200x64xf32, #tpu.memory_space<vmem>>, vector<1x16xf32>,
      %get3A_341 = vector.shape_cast %get3A_340 : vector<1x16xf32> to vector<16xf32>
      %mul3A_342 = arith.constant 0.00999999977 : f32
      %mul3A_343 = vector.broadcast %mul3A_342 : f32 to vector<16xf32>
      %mul3A_344 = arith.mulf %mul3A_343, %get3A_341 : vector<16xf32>
      %max3A_345 = arith.maximumf %get3A_341, %mul3A_344 : vector<16xf32>
      %add3A_346 = arith.addf %add3A_306, %max3A_345 : vector<16xf32>
      %get3A_347 = arith.index_cast %add3A_328 : i32 to index
      %get3A_348 = arith.constant 32 : index
      %get3A_349 = tpu.vector_load %arg7[%get3A_347, %get3A_348] {strides = array<i32>} : memref<200x64xf32, #tpu.memory_space<vmem>>, vector<1x16xf32>,
      %get3A_350 = vector.shape_cast %get3A_349 : vector<1x16xf32> to vector<16xf32>
      %mul3A_351 = arith.constant 0.00999999977 : f32
      %mul3A_352 = vector.broadcast %mul3A_351 : f32 to vector<16xf32>
      %mul3A_353 = arith.mulf %mul3A_352, %get3A_350 : vector<16xf32>
      %max3A_354 = arith.maximumf %get3A_350, %mul3A_353 : vector<16xf32>
      %add3A_355 = arith.addf %add3A_315, %max3A_354 : vector<16xf32>
      %get3A_356 = arith.index_cast %add3A_328 : i32 to index
      %get3A_357 = arith.constant 48 : index
      %get3A_358 = tpu.vector_load %arg7[%get3A_356, %get3A_357] {strides = array<i32>} : memref<200x64xf32, #tpu.memory_space<vmem>>, vector<1x16xf32>,
      %get3A_359 = vector.shape_cast %get3A_358 : vector<1x16xf32> to vector<16xf32>
      %mul3A_360 = arith.constant 0.00999999977 : f32
      %mul3A_361 = vector.broadcast %mul3A_360 : f32 to vector<16xf32>
      %mul3A_362 = arith.mulf %mul3A_361, %get3A_359 : vector<16xf32>
      %max3A_363 = arith.maximumf %get3A_359, %mul3A_362 : vector<16xf32>
      %add3A_364 = arith.addf %add3A_324, %max3A_363 : vector<16xf32>
      %mul3A_365 = arith.constant 8 : i32
      %mul3A_366 = arith.muli %scan3A_122, %mul3A_365 : i32
      %add3A_367 = arith.constant 6 : i32
      %add3A_368 = arith.addi %mul3A_366, %add3A_367 : i32
      %get3A_369 = arith.index_cast %add3A_368 : i32 to index
      %get3A_370 = arith.constant 0 : index
      %get3A_371 = tpu.vector_load %arg7[%get3A_369, %get3A_370] {strides = array<i32>} : memref<200x64xf32, #tpu.memory_space<vmem>>, vector<1x16xf32>,
      %get3A_372 = vector.shape_cast %get3A_371 : vector<1x16xf32> to vector<16xf32>
      %mul3A_373 = arith.constant 0.00999999977 : f32
      %mul3A_374 = vector.broadcast %mul3A_373 : f32 to vector<16xf32>
      %mul3A_375 = arith.mulf %mul3A_374, %get3A_372 : vector<16xf32>
      %max3A_376 = arith.maximumf %get3A_372, %mul3A_375 : vector<16xf32>
      %add3A_377 = arith.addf %add3A_337, %max3A_376 : vector<16xf32>
      %get3A_378 = arith.index_cast %add3A_368 : i32 to index
      %get3A_379 = arith.constant 16 : index
      %get3A_380 = tpu.vector_load %arg7[%get3A_378, %get3A_379] {strides = array<i32>} : memref<200x64xf32, #tpu.memory_space<vmem>>, vector<1x16xf32>,
      %get3A_381 = vector.shape_cast %get3A_380 : vector<1x16xf32> to vector<16xf32>
      %mul3A_382 = arith.constant 0.00999999977 : f32
      %mul3A_383 = vector.broadcast %mul3A_382 : f32 to vector<16xf32>
      %mul3A_384 = arith.mulf %mul3A_383, %get3A_381 : vector<16xf32>
      %max3A_385 = arith.maximumf %get3A_381, %mul3A_384 : vector<16xf32>
      %add3A_386 = arith.addf %add3A_346, %max3A_385 : vector<16xf32>
      %get3A_387 = arith.index_cast %add3A_368 : i32 to index
      %get3A_388 = arith.constant 32 : index
      %get3A_389 = tpu.vector_load %arg7[%get3A_387, %get3A_388] {strides = array<i32>} : memref<200x64xf32, #tpu.memory_space<vmem>>, vector<1x16xf32>,
      %get3A_390 = vector.shape_cast %get3A_389 : vector<1x16xf32> to vector<16xf32>
      %mul3A_391 = arith.constant 0.00999999977 : f32
      %mul3A_392 = vector.broadcast %mul3A_391 : f32 to vector<16xf32>
      %mul3A_393 = arith.mulf %mul3A_392, %get3A_390 : vector<16xf32>
      %max3A_394 = arith.maximumf %get3A_390, %mul3A_393 : vector<16xf32>
      %add3A_395 = arith.addf %add3A_355, %max3A_394 : vector<16xf32>
      %get3A_396 = arith.index_cast %add3A_368 : i32 to index
      %get3A_397 = arith.constant 48 : index
      %get3A_398 = tpu.vector_load %arg7[%get3A_396, %get3A_397] {strides = array<i32>} : memref<200x64xf32, #tpu.memory_space<vmem>>, vector<1x16xf32>,
      %get3A_399 = vector.shape_cast %get3A_398 : vector<1x16xf32> to vector<16xf32>
      %mul3A_400 = arith.constant 0.00999999977 : f32
      %mul3A_401 = vector.broadcast %mul3A_400 : f32 to vector<16xf32>
      %mul3A_402 = arith.mulf %mul3A_401, %get3A_399 : vector<16xf32>
      %max3A_403 = arith.maximumf %get3A_399, %mul3A_402 : vector<16xf32>
      %add3A_404 = arith.addf %add3A_364, %max3A_403 : vector<16xf32>
      %mul3A_405 = arith.constant 8 : i32
      %mul3A_406 = arith.muli %scan3A_122, %mul3A_405 : i32
      %add3A_407 = arith.constant 7 : i32
      %add3A_408 = arith.addi %mul3A_406, %add3A_407 : i32
      %get3A_409 = arith.index_cast %add3A_408 : i32 to index
      %get3A_410 = arith.constant 0 : index
      %get3A_411 = tpu.vector_load %arg7[%get3A_409, %get3A_410] {strides = array<i32>} : memref<200x64xf32, #tpu.memory_space<vmem>>, vector<1x16xf32>,
      %get3A_412 = vector.shape_cast %get3A_411 : vector<1x16xf32> to vector<16xf32>
      %mul3A_413 = arith.constant 0.00999999977 : f32
      %mul3A_414 = vector.broadcast %mul3A_413 : f32 to vector<16xf32>
      %mul3A_415 = arith.mulf %mul3A_414, %get3A_412 : vector<16xf32>
      %max3A_416 = arith.maximumf %get3A_412, %mul3A_415 : vector<16xf32>
      %add3A_417 = arith.addf %add3A_377, %max3A_416 : vector<16xf32>
      %get3A_418 = arith.index_cast %add3A_408 : i32 to index
      %get3A_419 = arith.constant 16 : index
      %get3A_420 = tpu.vector_load %arg7[%get3A_418, %get3A_419] {strides = array<i32>} : memref<200x64xf32, #tpu.memory_space<vmem>>, vector<1x16xf32>,
      %get3A_421 = vector.shape_cast %get3A_420 : vector<1x16xf32> to vector<16xf32>
      %mul3A_422 = arith.constant 0.00999999977 : f32
      %mul3A_423 = vector.broadcast %mul3A_422 : f32 to vector<16xf32>
      %mul3A_424 = arith.mulf %mul3A_423, %get3A_421 : vector<16xf32>
      %max3A_425 = arith.maximumf %get3A_421, %mul3A_424 : vector<16xf32>
      %add3A_426 = arith.addf %add3A_386, %max3A_425 : vector<16xf32>
      %get3A_427 = arith.index_cast %add3A_408 : i32 to index
      %get3A_428 = arith.constant 32 : index
      %get3A_429 = tpu.vector_load %arg7[%get3A_427, %get3A_428] {strides = array<i32>} : memref<200x64xf32, #tpu.memory_space<vmem>>, vector<1x16xf32>,
      %get3A_430 = vector.shape_cast %get3A_429 : vector<1x16xf32> to vector<16xf32>
      %mul3A_431 = arith.constant 0.00999999977 : f32
      %mul3A_432 = vector.broadcast %mul3A_431 : f32 to vector<16xf32>
      %mul3A_433 = arith.mulf %mul3A_432, %get3A_430 : vector<16xf32>
      %max3A_434 = arith.maximumf %get3A_430, %mul3A_433 : vector<16xf32>
      %add3A_435 = arith.addf %add3A_395, %max3A_434 : vector<16xf32>
      %get3A_436 = arith.index_cast %add3A_408 : i32 to index
      %get3A_437 = arith.constant 48 : index
      %get3A_438 = tpu.vector_load %arg7[%get3A_436, %get3A_437] {strides = array<i32>} : memref<200x64xf32, #tpu.memory_space<vmem>>, vector<1x16xf32>,
      %get3A_439 = vector.shape_cast %get3A_438 : vector<1x16xf32> to vector<16xf32>
      %mul3A_440 = arith.constant 0.00999999977 : f32
      %mul3A_441 = vector.broadcast %mul3A_440 : f32 to vector<16xf32>
      %mul3A_442 = arith.mulf %mul3A_441, %get3A_439 : vector<16xf32>
      %max3A_443 = arith.maximumf %get3A_439, %mul3A_442 : vector<16xf32>
      %add3A_444 = arith.addf %add3A_404, %max3A_443 : vector<16xf32>
      scf.yield %add3A_417, %add3A_426, %add3A_435, %add3A_444 : vector<16xf32>, vector<16xf32>, vector<16xf32>, vector<16xf32>
    }
    %scan3A_97 = arith.constant 25 : i32
    %swap3A_98 = arith.constant 127 : i32
    %swap3A_99 = arith.index_cast %swap3A_98 : i32 to index
    %swap3A_100 = arith.constant 0 : index
    %swap3A_101 = tpu.vector_load %arg8[%swap3A_99, %swap3A_100] {strides = array<i32>} : memref<128x64xf32, #tpu.memory_space<vmem>>, vector<1x16xf32>,
    %swap3A_102 = vector.shape_cast %swap3A_101 : vector<1x16xf32> to vector<16xf32>
    %swap3A_103 = vector.shape_cast %scan3A_96#0 : vector<16xf32> to vector<1x16xf32>
    tpu.vector_store %arg8[%swap3A_99, %swap3A_100], %swap3A_103 {strides = array<i32>} : memref<128x64xf32, #tpu.memory_space<vmem>>, vector<1x16xf32>,
    %swap3A_104 = arith.constant 127 : i32
    %swap3A_105 = arith.index_cast %swap3A_104 : i32 to index
    %swap3A_106 = arith.constant 16 : index
    %swap3A_107 = tpu.vector_load %arg8[%swap3A_105, %swap3A_106] {strides = array<i32>} : memref<128x64xf32, #tpu.memory_space<vmem>>, vector<1x16xf32>,
    %swap3A_108 = vector.shape_cast %swap3A_107 : vector<1x16xf32> to vector<16xf32>
    %swap3A_109 = vector.shape_cast %scan3A_96#1 : vector<16xf32> to vector<1x16xf32>
    tpu.vector_store %arg8[%swap3A_105, %swap3A_106], %swap3A_109 {strides = array<i32>} : memref<128x64xf32, #tpu.memory_space<vmem>>, vector<1x16xf32>,
    %swap3A_110 = arith.constant 127 : i32
    %swap3A_111 = arith.index_cast %swap3A_110 : i32 to index
    %swap3A_112 = arith.constant 32 : index
    %swap3A_113 = tpu.vector_load %arg8[%swap3A_111, %swap3A_112] {strides = array<i32>} : memref<128x64xf32, #tpu.memory_space<vmem>>, vector<1x16xf32>,
    %swap3A_114 = vector.shape_cast %swap3A_113 : vector<1x16xf32> to vector<16xf32>
    %swap3A_115 = vector.shape_cast %scan3A_96#2 : vector<16xf32> to vector<1x16xf32>
    tpu.vector_store %arg8[%swap3A_111, %swap3A_112], %swap3A_115 {strides = array<i32>} : memref<128x64xf32, #tpu.memory_space<vmem>>, vector<1x16xf32>,
    %swap3A_116 = arith.constant 127 : i32
    %swap3A_117 = arith.index_cast %swap3A_116 : i32 to index
    %swap3A_118 = arith.constant 48 : index
    %swap3A_119 = tpu.vector_load %arg8[%swap3A_117, %swap3A_118] {strides = array<i32>} : memref<128x64xf32, #tpu.memory_space<vmem>>, vector<1x16xf32>,
    %swap3A_120 = vector.shape_cast %swap3A_119 : vector<1x16xf32> to vector<16xf32>
    %swap3A_121 = vector.shape_cast %scan3A_96#3 : vector<16xf32> to vector<1x16xf32>
    tpu.vector_store %arg8[%swap3A_117, %swap3A_118], %swap3A_121 {strides = array<i32>} : memref<128x64xf32, #tpu.memory_space<vmem>>, vector<1x16xf32>,
    "tpu.region"() ({
      %run_scoped3A = tpu.sem_alloc : memref<!tpu.dma_semaphore, #tpu.memory_space<semaphore_mem>>
      %dma_start3A_122 = arith.constant 0 : i32
      %dma_start3A_123 = tpu.memref_slice %arg4[%mul3A_2, %dma_start3A_122] : memref<4096x64xf32, #tpu.memory_space<hbm>> -> memref<128x64xf32, #tpu.memory_space<hbm>>
      %dma_start3A_124 = arith.constant 0 : i32
      %dma_start3A_125 = tpu.memref_slice %arg4[%mul3A_2, %dma_start3A_124] : memref<4096x64xf32, #tpu.memory_space<hbm>> -> memref<128x64xf32, #tpu.memory_space<hbm>>
      tpu.enqueue_dma source(%arg8 : memref<128x64xf32, #tpu.memory_space<vmem>>) target(%dma_start3A_125 : memref<128x64xf32, #tpu.memory_space<hbm>>) target_semaphore(%run_scoped3A : memref<!tpu.dma_semaphore, #tpu.memory_space<semaphore_mem>>)
      %dma_wait3A_126 = arith.constant 0 : i32
      %dma_wait3A_127 = tpu.memref_slice %arg4[%mul3A_2, %dma_wait3A_126] : memref<4096x64xf32, #tpu.memory_space<hbm>> -> memref<128x64xf32, #tpu.memory_space<hbm>>
      %dma_wait3A_128 = arith.constant 0 : i32
      %dma_wait3A_129 = tpu.memref_slice %arg4[%mul3A_2, %dma_wait3A_128] : memref<4096x64xf32, #tpu.memory_space<hbm>> -> memref<128x64xf32, #tpu.memory_space<hbm>>
      tpu.wait_dma2 semaphore(%run_scoped3A : memref<!tpu.dma_semaphore, #tpu.memory_space<semaphore_mem>>) src(%arg8 : memref<128x64xf32, #tpu.memory_space<vmem>>) dst(%dma_wait3A_129 : memref<128x64xf32, #tpu.memory_space<hbm>>)
      tpu.yield
    }) : () -> ()
    return
  }
}

module attributes {stable_mosaic.version = 14 : i64} {
  func.func @body(%arg0: memref<4096x64xf32, #tpu.memory_space<vmem>>, %arg1: memref<128x64xf32, #tpu.memory_space<vmem>>, %arg2: memref<128xf32, #tpu.memory_space<vmem>>, %arg3: memref<1x128xf32, #tpu.memory_space<vmem>>, %arg4: memref<1x1xf32, #tpu.memory_space<vmem>>, %arg5: memref<4096x1xf32, #tpu.memory_space<vmem>>) attributes {dimension_semantics = [], scalar_prefetch = 0 : i64, scratch_operands = 0 : i64, tpu.core_type = #tpu.core_type<tc>} {
    %get3A = arith.constant 0 : index
    %get3A_0 = arith.constant 0 : index
    %get3A_1 = vector.load %arg0[%get3A, %get3A_0] : memref<4096x64xf32, #tpu.memory_space<vmem>>, vector<4096x64xf32>
    %mul3A = arith.constant 5.000000e-03 : f32
    %mul3A_2 = vector.broadcast %mul3A : f32 to vector<4096x64xf32>
    %mul3A_3 = arith.mulf %get3A_1, %mul3A_2 : vector<4096x64xf32>
    %get3A_4 = arith.constant 0 : index
    %get3A_5 = arith.constant 0 : index
    %get3A_6 = vector.load %arg1[%get3A_4, %get3A_5] : memref<128x64xf32, #tpu.memory_space<vmem>>, vector<128x64xf32>
    %dot_general3A = arith.constant dense<0.000000e+00> : vector<4096x128xf32>
    %dot_general3A_7 = tpu.matmul %mul3A_3, %get3A_6, %dot_general3A {dimension_numbers = #tpu.dot_dimension_numbers<[1], [1], [0], [0], [0, 0, 1, 0], [], []>, transpose_lhs_hint = false} : vector<4096x64xf32>, vector<128x64xf32>, vector<4096x128xf32> -> vector<4096x128xf32>
    %get3A_8 = arith.constant 0 : index
    %get3A_9 = vector.load %arg2[%get3A_8] : memref<128xf32, #tpu.memory_space<vmem>>, vector<128xf32>
    %broadcast_in_dim3A = vector.shape_cast %get3A_9 : vector<128xf32> to vector<1x128xf32>
    %add3A = vector.broadcast %broadcast_in_dim3A : vector<1x128xf32> to vector<4096x128xf32>
    %add3A_10 = arith.addf %dot_general3A_7, %add3A : vector<4096x128xf32>
    %ge3A = arith.constant 0.000000e+00 : f32
    %ge3A_11 = vector.broadcast %ge3A : f32 to vector<4096x128xf32>
    %ge3A_12 = arith.cmpf oge, %add3A_10, %ge3A_11 : vector<4096x128xf32>
    %mul3A_13 = arith.constant 0.00999999977 : f32
    %mul3A_14 = vector.broadcast %mul3A_13 : f32 to vector<4096x128xf32>
    %mul3A_15 = arith.mulf %mul3A_14, %add3A_10 : vector<4096x128xf32>
    %select_n3A = arith.select %ge3A_12, %add3A_10, %mul3A_15 : vector<4096x128xi1>, vector<4096x128xf32>
    %get3A_16 = arith.constant 0 : index
    %get3A_17 = arith.constant 0 : index
    %get3A_18 = vector.load %arg3[%get3A_16, %get3A_17] : memref<1x128xf32, #tpu.memory_space<vmem>>, vector<1x128xf32>
    %mul3A_19 = vector.broadcast %get3A_18 : vector<1x128xf32> to vector<4096x128xf32>
    %mul3A_20 = arith.mulf %select_n3A, %mul3A_19 : vector<4096x128xf32>
    %reduce_sum3A = arith.constant dense<0.000000e+00> : vector<4096xf32>
    %reduce_sum3A_21 = vector.multi_reduction <add>, %mul3A_20, %reduce_sum3A [1] : vector<4096x128xf32> to vector<4096xf32>
    %broadcast_in_dim3A_22 = vector.shape_cast %reduce_sum3A_21 : vector<4096xf32> to vector<4096x1xf32>
    %get3A_23 = arith.constant 0 : index
    %get3A_24 = arith.constant 0 : index
    %get3A_25 = vector.load %arg4[%get3A_23, %get3A_24] : memref<1x1xf32, #tpu.memory_space<vmem>>, vector<1x1xf32>
    %get3A_26 = vector.extract %get3A_25[0, 0] : f32 from vector<1x1xf32>
    %add3A_27 = vector.broadcast %get3A_26 : f32 to vector<4096x1xf32>
    %add3A_28 = arith.addf %broadcast_in_dim3A_22, %add3A_27 : vector<4096x1xf32>
    %logistic3A = arith.negf %add3A_28 : vector<4096x1xf32>
    %logistic3A_29 = math.exp %logistic3A : vector<4096x1xf32>
    %logistic3A_30 = arith.constant 1.000000e+00 : f32
    %logistic3A_31 = vector.broadcast %logistic3A_30 : f32 to vector<4096x1xf32>
    %logistic3A_32 = arith.addf %logistic3A_31, %logistic3A_29 : vector<4096x1xf32>
    %logistic3A_33 = arith.divf %logistic3A_31, %logistic3A_32 : vector<4096x1xf32>
    %swap3A = arith.constant 0 : index
    %swap3A_34 = arith.constant 0 : index
    %swap3A_35 = vector.load %arg5[%swap3A, %swap3A_34] : memref<4096x1xf32, #tpu.memory_space<vmem>>, vector<4096x1xf32>
    tpu.vector_store %arg5[%swap3A, %swap3A_34], %logistic3A_33 {strides = array<i32>} : memref<4096x1xf32, #tpu.memory_space<vmem>>, vector<4096x1xf32>,
    return
  }
}

</mosaic_0001>

<sc_bundles>
// kernel: kernel.4.cloned.1.call-start
scs
__scs_entry_jumppad:
0x0: {  	(pc) =	sbr.rel $0x88, $3  }
0x1: {  	(tag) =	ssettag $0x0;
	lr =	simm.s32 $0x1  }
0x2: {  	[smem:$0x3F9B] =	sst lr;
	_ =	strace $0xD0000000  }
0x3: {  	_ = 	snop  }
0x4: {  	_ = 	snop  }
0x5: {  	_ = 	snop  }
0x6: {  	_ = 	snop  }
0x7: {  	_ = 	snop  }
__scs_overlays_trampoline_lowered:
0x8: {  	[smem:$0x3FAA] =	sst s0  }
0x9: {  	[smem:$0x3FAB] =	sst s1  }
0xa: {  	[smem:$0x3FAC] =	sst s2  }
0xb: {  	[smem:$0x3FAD] =	sst s3  }
0xc: {  	[smem:$0x3FAE] =	sst s4  }
0xd: {  	[smem:$0x3FAF] =	sst s5  }
0xe: {  	[smem:$0x3FB0] =	sst s6  }
0xf: {  	[smem:$0x3FB1] =	sst s7  }
0x10: {  	[smem:$0x3FB2] =	sst s8  }
0x11: {  	[smem:$0x3FB3] =	sst s9;
	s0 =	simm.s32 @!p0 $0x0  }
0x12: {  	s1 =	sld [smem:$0x3F99];
	s0 =	simm.s32 @p0 $0x1  }
0x13: {  	[smem:$0x3FB4] =	sst s0;
	s0 =	simm.s32 @!p1 $0x0  }
0x14: {  	s2 =	sld [smem:$0x3F98];
	s0 =	simm.s32 @p1 $0x1  }
0x15: {  	[smem:$0x3FB5] =	sst s0;
	s0 =	simm.s32 @!p2 $0x0  }
0x16: {  	s3 =	sld [smem:$0x3FDB];
	s0 =	simm.s32 @p2 $0x1  }
0x17: {  	s4 =	simm.s32 $0x1BF5;
	[smem:$0x3FB7] =	sst s0  }
0x18: {  	s0 =	sld [smem:$0x3F9A];
	_ =	swait.ge [sflag:s4], $0x0  }
0x19: {  	s7 =	sld [smem:$0x3F9B]  }
0x1a: {  	s8 =	sadd.s32 $0xFFFFE003, lr  }
0x1b: {  	s9 =	sadd.s32 $0xFFFFFEF7, lr;
	s5 =	simm.s32 $0xFFFFFFFF;
	p2 =	slt.u32 s8, $0xFFFFF086  }
0x1c: {  	p1 =	slt.u32 s9, $0xF7A;
	s5 =	simm.s32 @!p2 $0x0  }
0x1d: {  	s5 =	simm.s32 @p1 $0x1;
	p0 =	seq.s32 s7, s2  }
0x1e: {  	s7 =	smul.u32 @!p0 $0xF7A, s2;
	p2 =	seq.s32 @!p0 s5, $0x0  }
0x1f: {  	s9 =	smul.u32 $0xF7A, s1;
	s8 =	simm.s32 @!p0 $0x1BF5;
	p2 =	por !p2, p0  }
0x20: {  	[sflag:s8] =	ssyncset.s32 @!p0 $0xFFFFF086;
	s6 =	sadd.s32 @!p0 s3, s7;
	s7 =	simm.s32 @!p0 $0x108  }
0x21: {  	s3 =	sadd.s32 s3, s9;
	s6 =	sadd.s32 @!p0 $0x88, s6;
	s7 =	simm.s32 @p2 $0x1082  }
0x22: {  	[simem:s7], [sflag:s8] =	dma.local @!p0 [hbm:s6], $0xF7A  }
0x23: {  	s9 =	sor.u32 $0xD0000000, s2;
	s6 =	simm.s32 $0x108;
	_ =	swait.ge @!p0 [sflag:s8], $0x0  }
0x24: {  	s3 =	sadd.s32 $0x88, s3;
	s6 =	simm.s32 @!p1 $0x1082;
	[sflag:s4] =	ssyncset.s32 $0xFFFFF086  }
0x25: {  	[simem:s6], [sflag:s4] =	dma.local [hbm:s3], $0xF7A  }
0x26: {  	[smem:$0x3F9B] =	sst s1;
	(tag) =	ssettag s2;
	_ =	strace s9  }
0x27: {  	s1 =	sld [smem:$0x3FAB]  }
0x28: {  	s2 =	sld [smem:$0x3FAC]  }
0x29: {  	s4 =	sld [smem:$0x3FAE]  }
0x2a: {  	p0 =	seq.s32 s5, $0x0;
	s5 =	sld [smem:$0x3FAF]  }
0x2b: {  	s6 =	sld [smem:$0x3FB0]  }
0x2c: {  	s7 =	sld [smem:$0x3FB1]  }
0x2d: {  	s3 =	simm.s32 $0x108;
	s8 =	sld [smem:$0x3FB2]  }
0x2e: {  	s3 =	simm.s32 @!p0 $0x1082;
	s9 =	sld [smem:$0x3FB3]  }
0x2f: {  	lr =	sadd.s32 s0, s3;
	s0 =	sld [smem:$0x3FAA]  }
0x30: {  	s3 =	sld [smem:$0x3FAD]  }
0x31: {  	[smem:$0x3FB6] =	sst s10  }
0x32: {  	s10 =	sld [smem:$0x3FB4];
	_ =	sdelay $0x3  }
0x33: {  	p0 =	seq.s32 s10, $0x1;
	s10 =	sld [smem:$0x3FB6];
	_ =	sdelay $0x3  }
0x34: {  	[smem:$0x3FB6] =	sst s10  }
0x35: {  	s10 =	sld [smem:$0x3FB5];
	_ =	sdelay $0x3  }
0x36: {  	p1 =	seq.s32 s10, $0x1;
	s10 =	sld [smem:$0x3FB6];
	_ =	sdelay $0x3  }
0x37: {  	[smem:$0x3FB6] =	sst s10  }
0x38: {  	s10 =	sld [smem:$0x3FB7]  }
0x39: {  	_ = 	snop;
	(pc) =	sbr.ind lr, $3  }
0x3a: {  	_ = 	snop  }
0x3b: {  	_ = 	snop  }
0x3c: {  	p2 =	seq.s32 s10, $0x1;
	s10 =	sld [smem:$0x3FB6]  }
0x3d: {  	_ =	shalt  }
0x3e: {  	_ =	shalt  }
0x3f: {  	_ =	shalt  }
0x40: {  	_ =	shalt  }
0x41: {  	_ =	shalt  }
0x42: {  	_ =	shalt  }
0x43: {  	_ =	shalt  }
0x44: {  	_ =	shalt  }
0x45: {  	_ =	shalt  }
0x46: {  	_ =	shalt  }
0x47: {  	_ =	shalt  }
0x48: {  	_ =	shalt  }
0x49: {  	_ =	shalt  }
0x4a: {  	_ =	shalt  }
0x4b: {  	_ =	shalt  }
0x4c: {  	_ =	shalt  }
0x4d: {  	_ =	shalt  }
0x4e: {  	_ =	shalt  }
0x4f: {  	_ =	shalt  }
0x50: {  	_ =	shalt  }
0x51: {  	_ =	shalt  }
0x52: {  	_ =	shalt  }
0x53: {  	_ =	shalt  }
0x54: {  	_ =	shalt  }
0x55: {  	_ =	shalt  }
0x56: {  	_ =	shalt  }
0x57: {  	_ =	shalt  }
0x58: {  	_ =	shalt  }
0x59: {  	_ =	shalt  }
0x5a: {  	_ =	shalt  }
0x5b: {  	_ =	shalt  }
0x5c: {  	_ =	shalt  }
0x5d: {  	_ =	shalt  }
0x5e: {  	_ =	shalt  }
0x5f: {  	_ =	shalt  }
0x60: {  	_ =	shalt  }
0x61: {  	_ =	shalt  }
0x62: {  	_ =	shalt  }
0x63: {  	_ =	shalt  }
0x64: {  	_ =	shalt  }
0x65: {  	_ =	shalt  }
0x66: {  	_ =	shalt  }
0x67: {  	_ =	shalt  }
0x68: {  	_ =	shalt  }
0x69: {  	_ =	shalt  }
0x6a: {  	_ =	shalt  }
0x6b: {  	_ =	shalt  }
0x6c: {  	_ =	shalt  }
0x6d: {  	_ =	shalt  }
0x6e: {  	_ =	shalt  }
0x6f: {  	_ =	shalt  }
0x70: {  	_ =	shalt  }
0x71: {  	_ =	shalt  }
0x72: {  	_ =	shalt  }
0x73: {  	_ =	shalt  }
0x74: {  	_ =	shalt  }
0x75: {  	_ =	shalt  }
0x76: {  	_ =	shalt  }
0x77: {  	_ =	shalt  }
0x78: {  	_ =	shalt  }
0x79: {  	_ =	shalt  }
0x7a: {  	_ =	shalt  }
0x7b: {  	_ =	shalt  }
0x7c: {  	_ =	shalt  }
0x7d: {  	_ =	shalt  }
0x7e: {  	_ =	shalt  }
0x7f: {  	_ =	shalt  }
0x80: {  	_ =	shalt  }
0x81: {  	_ =	shalt  }
0x82: {  	_ =	shalt  }
0x83: {  	_ =	shalt  }
0x84: {  	_ =	shalt  }
0x85: {  	_ =	shalt  }
0x86: {  	_ =	shalt  }
0x87: {  	_ =	shalt  }
.Lfunc_end0:
.L_simem_size_0:
called_computation_lowered:
.L_overlay_start_0:
0x88: {  	s2 =	sld [smem:$0x3FD9]  }
0x89: {  	s3 =	sld [smem:$0x3FFE];
	_ =	sdelay $0x1  }
0x8a: {  	s1 =	srdreg.scid  }
0x8b: {  	s0 =	sand.u32 $0x1, s1  }
0x8c: {  	s16 =	sshll.u32 s0, $0xA;
	s2 =	sadd.s32 s3, s2  }
0x8d: {  	s2 =	sadd.s32 s2, s16  }
0x8e: {  	[smem:$0x3FC2] =	sst s2  }
0x8f: {  	_ = 	snop  }
0x90: {  	(tm) =	ssettm $0x1  }
0x91: {  	s17 =	sld [smem:$0x3FFB];
	_ =	sdelay $0x3  }
0x92: {  	_ =	strace s17  }
0x93: {  	s2 =	sld [smem:$0x3FFC];
	_ =	sdelay $0x3  }
0x94: {  	_ =	strace s2  }
0x95: {  	s2 =	sld [smem:$0x3FFD];
	_ =	sdelay $0x3  }
0x96: {  	_ =	strace s2  }
0x97: {  	_ =	strace $0x8FFFFFFF  }
0x98: {  	s18 =	sld [smem:$0x3FDB];
	_ =	sdelay $0x1  }
0x99: {  	s19 =	simm.s32 $_scs_section_size  }
0x9a: {  	s4 =	simm.s32 $_size__tile_overlayer_lowered;
	s5 =	simm.s32 $_tile_overlayer_lowered  }
0x9b: {  	s22 =	simm.s32 $0x1BFF;
	s21 =	sshll.u32 s5, $0x1;
	s2 =	sadd.s32 s19, s18  }
0x9c: {  	s6 =	simm.s32 $0x0;
	s20 =	sshll.u32 s4, $0x1;
	s4 =	sadd.s32 s21, s2  }
0x9d: {  	[timem:s6], [sflag:s22] =	dma.local [hbm:s4], s20  }
0x9e: {  	_ =	swait.ge [sflag:s22], s20  }
0x9f: {  	s3 =	ssub.s32 $0x0, s20;
	[sflag:s22] =	ssyncset.done $0x0  }
0xa0: {  	[sflag:s22] =	ssyncadd.s32 s3;
	_ =	sdelay $0x1  }
0xa1: {  	s23 =	simm.s32 $0x1B8B  }
0xa2: {  	_ =	swait.ge [sflag:s23], $0x1  }
0xa3: {  	[sflag:s23] =	ssyncset.done $0x0  }
0xa4: {  	s25 =	simm.s32 $0x1B8E;
	s24 =	sld [smem:$0x3FFE];
	[sflag:s23] =	ssyncadd.s32 $0xFFFFFFFF  }
0xa5: {  	s26 =	simm.s32 $execute0_lowered;
	[smem:$0x3FD2] =	sst s25  }
0xa6: {  	s4 =	sshll.u32 s26, $0x1;
	_ =	strace $0x80000046;
	[dreg:$0x1] =	wrdreg $0xFFFFFFFF  }
0xa7: {  	s28 =	simm.s32 $_size_execute0_lowered;
	s2 =	sadd.s32 s2, s4;
	[dreg:$0x0] =	wrdreg $0x0  }
0xa8: {  	s4 =	sshll.u32 s28, $0x1;
	[dreg:$0x2] =	wrdreg s2  }
0xa9: {  	[dreg:$0x3] =	wrdreg s4  }
0xaa: {  	[dreg:$0x4] =	wrdreg $0xC0  }
0xab: {  	_ =	task [dreg:s6], $0x5FFFF  }
0xac: {  	[dreg:$0x1] =	wrdreg $0xFFFFFFFF  }
0xad: {  	[dreg:$0x0] =	wrdreg $0x60  }
0xae: {  	[dreg:$0x2] =	wrdreg s24  }
0xaf: {  	[dreg:$0x3] =	wrdreg $0x9  }
0xb0: {  	_ =	task.clear_ibuf [dreg:s6], $0x4FFFF;
	_ =	strace $0x90000046  }
0xb1: {  	s29 =	simm.s32 $0x9;
	_ =	strace $0x80000048  }
0xb2: {  	_ =	swait.ge [sflag:s29], $0x1  }
0xb3: {  	[sflag:s29] =	ssyncadd.s32 $0xFFFFFFFF  }
0xb4: {  	_ =	strace $0x90000048  }
0xb5: {  	_ =	sfence  }
0xb6: {  	s30 =	sld [smem:$0x0];
	_ =	sdelay $0x2  }
0xb7: {  	s31 =	sshll.u32 s1, $0xD;
	s1 =	sshrl.u32 s1, $0x2  }
0xb8: {  	s3 =	sand.u32 $0x4000, s31;
	s1 =	sadd.s32 s1, s30  }
0xb9: {  	s0 =	sor.u32 s3, s0;
	s1 =	sshll.u32 s1, $0x11  }
0xba: {  	s0 =	sor.u32 s1, s0  }
0xbb: {  	s0 =	sadd.s32 $0x8F2B, s0  }
0xbc: {  	[sflag:s0] =	ssyncadd.remote.s32 $0x1  }
0xbd: {  	_ =	sfence.sel $0xFFFF  }
0xbe: {  	[dreg:$0x0] =	wrdreg $0xFFFFFFFF;
	(pc) =	sbr.abs _section_cstart, $3  }
0xbf: {  	[dreg:$0x1] =	wrdreg $0xFFFFFFFF  }
0xc0: {  	_ =	task.clear_ibuf [dreg:s6], $0x2FFFF;
	_ =	strace $0x9FFFFFFF  }
0xc1: {  	(tm) =	ssettm $0x7FFFFFFF  }
tec
execute0_lowered:
.L_overlay_start_1:
0x0: {  	(tag) =	ssettag $0x1  }
0x1: {  	s1 =	srdreg.scid;
	s0 =	stileid.u32  }
0x2: {  	s4 =	rddreg [dreg:$0x0];
	s9 =	simm.s32 $0x6400;
	s10 =	simm.s32 $0x60  }
0x3: {  	s11 =	simm.s32 $0x7E00;
	s12 =	simm.s32 $0x9600;
	s13 =	simm.s32 $0xB000  }
0x4: {  	s14 =	simm.s32 $0x1;
	s15 =	simm.s32 $0x2;
	s16 =	simm.s32 $0x6338  }
0x5: {  	s17 =	simm.s32 $0x63A0;
	s18 =	simm.s32 $0xC800;
	s19 =	simm.s32 $0x0  }
0x6: {  	s3 =	sand.u32 $0x1, s1;
	s31 =	sshll.u32 s0, $0x8;
	s1 =	rddreg [dreg:$0x1]  }
0x7: {  	s2 =	sshll.u32 s3, $0x7;
	s7 =	ssub.s32 $0x2, s3;
	s3 =	sadd.s32 $0xF42C00, s4  }
0x8: {  	s5 =	sor.u32 s2, s31;
	s2 =	simm.s32 $0x0;
	s8 =	sshrl.u32 s7, $0x1  }
0x9: {  	s6 =	smul.u32 $0x19, s5;
	[smem:$0x7FF] =	sst s2;
	s5 =	sshll.u32 s5, $0x3  }
0xa: {  	s7 =	ssub.s32 s7, s8;
	s8 =	simm.s32 $0x68;
	s5 =	sadd.s32 s5, s4  }
0xb: {  	_ =	strace $0x80000047;
	s6 =	sadd.s32 s6, s4;
	s5 =	sadd.s32 $0x19800, s5  }
0xc: {  	s4 =	sadd.s32 $0x800, s6;
	s6 =	smax.u32 s7, $0x1;
	s7 =	simm.s32 $0x3  }
.LBB2_1:
0xd: {  	[tilespmem:s2], [sflag:$0x3] =	stream.linear.gather [hbm4b:s4+s2], $0x6400, $0x38;
	[tilespmem:$0xE800] =	vst v63  }
0xe: {  	_ =	swait.ge [sflag:s7], $0x6400  }
0xf: {  	[sflag:s7] =	ssyncset.done $0x0  }
0x10: {  	[sflag:s7] =	ssyncadd.s32 $0xFFFF9C00  }
0x11: {  	[tilespmem:s9], [sflag:$0x1] =	stream.indirect.gather [hbm4b:s3+s8], $0x40, s2, s8, $0xb8;
	[tilespmem:$0xE800] =	vst v63  }
0x12: {  	s20 =	simm.s32 $0x0  }
0x13: {  	[tilespmem:s11], [sflag:$0x1] =	stream.indirect.gather [hbm4b:s3+s10], $0x40, s8, s10, $0xb8;
	[tilespmem:$0xE800] =	vst v63  }
.LBB2_2:
0x14: {  	s21 =	sshllo.u32 s20, $0x1  }
0x15: {  	s22 =	smul.u32 $0x320, s21;
	_ =	sdelay $0x1  }
0x16: {  	s22 =	sshra.s32 s22, $0x2  }
0x17: {  	[tilespmem:s12], [sflag:$0x2] =	stream.indirect.gather [hbm4b:s3+s8], $0x40, s22, s8, $0xb8;
	[tilespmem:$0xE800] =	vst v63  }
0x18: {  	s22 =	sadd.s32 $0x68, s22  }
0x19: {  	[tilespmem:s13], [sflag:$0x2] =	stream.indirect.gather [hbm4b:s3+s10], $0x40, s22, s10, $0xb8;
	[tilespmem:$0xE800] =	vst v63  }
0x1a: {  	_ =	swait.ge [sflag:s14], $0x3200  }
0x1b: {  	[sflag:s14] =	ssyncset.done $0x0  }
0x1c: {  	s22 =	simm.s32 $0x0;
	[sflag:s14] =	ssyncadd.s32 $0xFFFFCE00  }
0x1d: {  	v0 =	vld [tilespmem:s22+$0x6490]  }
0x1e: {  	v1 =	vld [tilespmem:s22+$0x64B0]  }
0x1f: {  	v2 =	vld [tilespmem:s22+$0x6470]  }
0x20: {  	v3 =	vld [tilespmem:s22+$0x6480]  }
0x21: {  	v4 =	vld [tilespmem:s22+$0x6430]  }
0x22: {  	v5 =	vld [tilespmem:s22+$0x6420]  }
0x23: {  	v6 =	vld [tilespmem:s22+$0x6450]  }
0x24: {  	v7 =	vld [tilespmem:s22+$0x6410]  }
0x25: {  	v8 =	vld [tilespmem:s22+$0x6400]  }
0x26: {  	v10 =	vld [tilespmem:s22+$0x64F0];
	v9 =	vmul.f32 $9.999999770e-03, v4;
	v11 =	vmul.f32 $9.999999770e-03, v3  }
0x27: {  	v16 =	vld [tilespmem:s22+$0x6460];
	v12 =	vmul.f32 $9.999999770e-03, v5;
	v15 =	vmul.f32 $9.999999770e-03, v2  }
0x28: {  	v14 =	vimm.f32 $0.0e+00;
	v13 =	vld [tilespmem:s22+$0x6440];
	v17 =	vmul.f32 $9.999999770e-03, v1;
	v18 =	vmul.f32 $9.999999770e-03, v0  }
0x29: {  	v21 =	vld [tilespmem:s22+$0x64E0];
	v20 =	vmul.f32 $9.999999770e-03, v7;
	v4 =	vmax.f32 v4, v9;
	v9 =	vmul.f32 $9.999999770e-03, v6  }
0x2a: {  	v19 =	vld [tilespmem:s22+$0x64A0];
	v2 =	vmax.f32 v2, v15;
	v15 =	vmul.f32 $9.999999770e-03, v8;
	v1 =	vmax.f32 v1, v17  }
0x2b: {  	v17 =	vld [tilespmem:s22+$0x64C0];
	v18 =	vmax.f32 v0, v18;
	v5 =	vmax.f32 v5, v12;
	v7 =	vmax.f32 v7, v20  }
0x2c: {  	v22 =	vld [tilespmem:s22+$0x6510];
	v12 =	vmul.f32 $9.999999770e-03, v16;
	v3 =	vmax.f32 v3, v11;
	v4 =	vadd.f32 v4, v14  }
0x2d: {  	v20 =	vld [tilespmem:s22+$0x64D0];
	v5 =	vadd.f32 v5, v14;
	v7 =	vadd.f32 v7, v14;
	v0 =	vmax.f32 v8, v15  }
0x2e: {  	v6 =	vmax.f32 v6, v9;
	v8 =	vld [tilespmem:s22+$0x6530];
	v12 =	vmax.f32 v16, v12;
	v16 =	vmul.f32 $9.999999770e-03, v21  }
0x2f: {  	v11 =	vld [tilespmem:s22+$0x6570];
	v9 =	vadd.f32 v0, v14;
	v2 =	vadd.f32 v2, v4;
	v4 =	vmul.f32 $9.999999770e-03, v10  }
0x30: {  	v0 =	vld [tilespmem:s22+$0x6500];
	v23 =	vadd.f32 v12, v5;
	v6 =	vadd.f32 v6, v7;
	v15 =	vmul.f32 $9.999999770e-03, v17  }
0x31: {  	v14 =	vld [tilespmem:s22+$0x6520];
	v4 =	vmax.f32 v10, v4;
	v10 =	vmul.f32 $9.999999770e-03, v13;
	v5 =	vadd.f32 v1, v2  }
0x32: {  	v1 =	vld [tilespmem:s22+$0x65B0];
	v7 =	vmul.f32 $9.999999770e-03, v20;
	v18 =	vadd.f32 v18, v6;
	v2 =	vmax.f32 v17, v15  }
0x33: {  	v10 =	vmax.f32 v13, v10;
	v12 =	vmul.f32 $9.999999770e-03, v8;
	v13 =	vmax.f32 v21, v16;
	v15 =	vld [tilespmem:s22+$0x6550]  }
0x34: {  	v4 =	vadd.f32 v4, v5;
	v5 =	vmul.f32 $9.999999770e-03, v11;
	v9 =	vadd.f32 v10, v9;
	v10 =	vld [tilespmem:s22+$0x6560]  }
0x35: {  	v16 =	vmul.f32 $9.999999770e-03, v19;
	v7 =	vmax.f32 v20, v7;
	v12 =	vmax.f32 v8, v12;
	v8 =	vld [tilespmem:s22+$0x6590]  }
0x36: {  	v17 =	vmul.f32 $9.999999770e-03, v22;
	v7 =	vadd.f32 v7, v18;
	v11 =	vmax.f32 v11, v5;
	v5 =	vld [tilespmem:s22+$0x65A0]  }
0x37: {  	v4 =	vadd.f32 v12, v4;
	v6 =	vadd.f32 v3, v9;
	v3 =	vld [tilespmem:s22+$0x65D0]  }
0x38: {  	v9 =	vmax.f32 v19, v16;
	v12 =	vld [tilespmem:s22+$0x6540];
	v16 =	vmax.f32 v22, v17;
	v18 =	vmul.f32 $9.999999770e-03, v15  }
0x39: {  	v19 =	vmul.f32 $9.999999770e-03, v14;
	v4 =	vadd.f32 v11, v4;
	v11 =	vadd.f32 v9, v23;
	v9 =	vld [tilespmem:s22+$0x65E0]  }
0x3a: {  	v16 =	vadd.f32 v16, v7;
	v7 =	vld [tilespmem:s22+$0x65F0];
	v17 =	vmax.f32 v15, v18;
	v18 =	vmul.f32 $9.999999770e-03, v10  }
0x3b: {  	s23 =	simm.s32 $0x800;
	v14 =	vmax.f32 v14, v19;
	v13 =	vadd.f32 v13, v11;
	v11 =	vld [tilespmem:s22+$0x6580];
	v15 =	vmul.f32 $9.999999770e-03, v8  }
.LBB2_3:
0x3c: {  	p0 =	sne.s32 s23, $0xC000;
	v16 =	vadd.f32 v17, v16;
	v10 =	vmax.f32 v10, v18;
	v17 =	vmul.f32 $9.999999770e-03, v5;
	v18 =	vld [tilespmem:s22+$0x65C0];
	s22 =	sshra.s32 s23, $0x2;
	s23 =	sadd.s32 $0x800, s23  }
0x3d: {  	v19 =	vld [tilespmem:s22+$0x6490];
	v13 =	vadd.f32 v14, v13;
	v14 =	vmul.f32 $9.999999770e-03, v12;
	v8 =	vmax.f32 v8, v15  }
0x3e: {  	v15 =	vld [tilespmem:s22+$0x64B0];
	v8 =	vadd.f32 v8, v16;
	v16 =	vmul.f32 $9.999999770e-03, v1;
	v20 =	vmul.f32 $9.999999770e-03, v9  }
0x3f: {  	v21 =	vld [tilespmem:s22+$0x6470];
	v12 =	vmax.f32 v12, v14;
	v10 =	vadd.f32 v10, v13;
	v13 =	vmul.f32 $9.999999770e-03, v7  }
0x40: {  	v5 =	vmax.f32 v5, v17;
	v14 =	vld [tilespmem:s22+$0x6480];
	v1 =	vmax.f32 v1, v16;
	v9 =	vmax.f32 v9, v20  }
0x41: {  	v17 =	vmul.f32 $9.999999770e-03, v0;
	v16 =	vld [tilespmem:s22+$0x6430];
	v5 =	vadd.f32 v5, v10;
	v10 =	vmul.f32 $9.999999770e-03, v3  }
0x42: {  	v2 =	vadd.f32 v2, v6;
	v6 =	vmul.f32 $9.999999770e-03, v11;
	v7 =	vmax.f32 v7, v13;
	v20 =	vld [tilespmem:s22+$0x6420]  }
0x43: {  	v0 =	vmax.f32 v0, v17;
	v1 =	vadd.f32 v1, v4;
	v13 =	vld [tilespmem:s22+$0x6450];
	v3 =	vmax.f32 v3, v10  }
0x44: {  	v0 =	vadd.f32 v0, v2;
	v2 =	vmax.f32 v11, v6;
	v5 =	vadd.f32 v9, v5;
	v4 =	vld [tilespmem:s22+$0x6410]  }
0x45: {  	v9 =	vmul.f32 $9.999999770e-03, v18;
	v1 =	vadd.f32 v7, v1;
	v3 =	vadd.f32 v3, v8;
	v6 =	vld [tilespmem:s22+$0x6400]  }
0x46: {  	v0 =	vadd.f32 v12, v0;
	v8 =	vmul.f32 $9.999999770e-03, v14;
	v7 =	vmul.f32 $9.999999770e-03, v16;
	v10 =	vld [tilespmem:s22+$0x64F0]  }
0x47: {  	v17 =	vmul.f32 $9.999999770e-03, v21;
	v9 =	vmax.f32 v18, v9;
	v11 =	vmul.f32 $9.999999770e-03, v20;
	v12 =	vld [tilespmem:s22+$0x6440]  }
0x48: {  	v18 =	vmul.f32 $9.999999770e-03, v15;
	v0 =	vadd.f32 v2, v0;
	v7 =	vmax.f32 v16, v7;
	v16 =	vld [tilespmem:s22+$0x6460]  }
0x49: {  	v17 =	vmax.f32 v21, v17;
	v21 =	vmul.f32 $9.999999770e-03, v19;
	v2 =	vmul.f32 $9.999999770e-03, v13;
	v22 =	vld [tilespmem:s22+$0x64A0]  }
0x4a: {  	v15 =	vmax.f32 v15, v18;
	v0 =	vadd.f32 v9, v0;
	v23 =	vmul.f32 $9.999999770e-03, v6;
	v18 =	vld [tilespmem:s22+$0x64C0]  }
0x4b: {  	v9 =	vmul.f32 $9.999999770e-03, v4;
	v1 =	vadd.f32 v7, v1;
	v7 =	vmax.f32 v19, v21;
	v19 =	vld [tilespmem:s22+$0x64E0]  }
0x4c: {  	v11 =	vmax.f32 v20, v11;
	v13 =	vmax.f32 v13, v2;
	v6 =	vmax.f32 v6, v23;
	v20 =	vld [tilespmem:s22+$0x6530]  }
0x4d: {  	v1 =	vadd.f32 v17, v1;
	v2 =	vmul.f32 $9.999999770e-03, v10;
	v6 =	vadd.f32 v6, v0;
	v0 =	vld [tilespmem:s22+$0x6500]  }
0x4e: {  	v14 =	vmax.f32 v14, v8;
	v4 =	vmax.f32 v4, v9;
	v9 =	vmul.f32 $9.999999770e-03, v16;
	v17 =	vld [tilespmem:s22+$0x6570]  }
0x4f: {  	v5 =	vadd.f32 v11, v5;
	v10 =	vmax.f32 v10, v2;
	v8 =	vmul.f32 $9.999999770e-03, v18;
	v11 =	vld [tilespmem:s22+$0x64D0]  }
0x50: {  	v21 =	vmul.f32 $9.999999770e-03, v12;
	v2 =	vmax.f32 v16, v9;
	v9 =	vmul.f32 $9.999999770e-03, v19;
	v16 =	vld [tilespmem:s22+$0x6510]  }
0x51: {  	v23 =	vadd.f32 v2, v5;
	v5 =	vadd.f32 v15, v1;
	v2 =	vmax.f32 v18, v8;
	v1 =	vld [tilespmem:s22+$0x65B0]  }
0x52: {  	v3 =	vadd.f32 v4, v3;
	v4 =	vmax.f32 v12, v21;
	v8 =	vmul.f32 $9.999999770e-03, v20;
	v15 =	vld [tilespmem:s22+$0x6520]  }
0x53: {  	v19 =	vmax.f32 v19, v9;
	v5 =	vadd.f32 v10, v5;
	v18 =	vld [tilespmem:s22+$0x6550];
	v9 =	vmul.f32 $9.999999770e-03, v17  }
0x54: {  	v3 =	vadd.f32 v13, v3;
	v4 =	vadd.f32 v4, v6;
	v12 =	vmul.f32 $9.999999770e-03, v11;
	v10 =	vld [tilespmem:s22+$0x6560]  }
0x55: {  	v13 =	vmul.f32 $9.999999770e-03, v22;
	v6 =	vmax.f32 v20, v8;
	v21 =	vmul.f32 $9.999999770e-03, v16;
	v8 =	vld [tilespmem:s22+$0x6590]  }
0x56: {  	v7 =	vadd.f32 v7, v3;
	v20 =	vadd.f32 v6, v5;
	v9 =	vmax.f32 v17, v9;
	v5 =	vld [tilespmem:s22+$0x65A0]  }
.Ltmp0:
0x57: {  	v13 =	vmax.f32 v22, v13;
	v6 =	vadd.f32 v14, v4;
	v4 =	vmax.f32 v11, v12;
	v3 =	vld [tilespmem:s22+$0x65D0];
	(pc) =	sbr.rel @p0 .LBB2_3-.Ltmp0, $4  }
0x58: {  	v7 =	vadd.f32 v4, v7;
	v4 =	vadd.f32 v9, v20;
	v12 =	vld [tilespmem:s22+$0x6540];
	v11 =	vmul.f32 $9.999999770e-03, v18  }
0x59: {  	v13 =	vadd.f32 v13, v23;
	v14 =	vmax.f32 v16, v21;
	v20 =	vmul.f32 $9.999999770e-03, v15;
	v9 =	vld [tilespmem:s22+$0x65E0]  }
0x5a: {  	v16 =	vadd.f32 v14, v7;
	v17 =	vmax.f32 v18, v11;
	v18 =	vmul.f32 $9.999999770e-03, v10;
	v7 =	vld [tilespmem:s22+$0x65F0]  }
0x5b: {  	v13 =	vadd.f32 v19, v13;
	v14 =	vmax.f32 v15, v20;
	v15 =	vmul.f32 $9.999999770e-03, v8;
	v11 =	vld [tilespmem:s22+$0x6580]  }
0x5c: {  	v19 =	vmul.f32 $9.999999770e-03, v0  }
0x5d: {  	v16 =	vadd.f32 v17, v16;
	v10 =	vmax.f32 v10, v18;
	v2 =	vadd.f32 v2, v6  }
0x5e: {  	v17 =	vld [tilespmem:s22+$0x65C0];
	v6 =	vmul.f32 $9.999999770e-03, v5;
	v18 =	vmul.f32 $9.999999770e-03, v12;
	v13 =	vadd.f32 v14, v13  }
0x5f: {  	v8 =	vmax.f32 v8, v15;
	v14 =	vmul.f32 $9.999999770e-03, v1;
	v0 =	vmax.f32 v0, v19  }
0x60: {  	v15 =	vmul.f32 $9.999999770e-03, v9;
	v5 =	vmax.f32 v5, v6;
	v0 =	vadd.f32 v0, v2  }
0x61: {  	v2 =	vadd.f32 v8, v16;
	v8 =	vmax.f32 v12, v18;
	v12 =	vmul.f32 $9.999999770e-03, v11  }
0x62: {  	v0 =	vadd.f32 v8, v0;
	v8 =	vadd.f32 v10, v13;
	v13 =	vmul.f32 $9.999999770e-03, v3  }
0x63: {  	v1 =	vmax.f32 v1, v14;
	v10 =	vmax.f32 v11, v12;
	v11 =	vmul.f32 $9.999999770e-03, v17  }
0x64: {  	v12 =	vmul.f32 $9.999999770e-03, v7;
	v0 =	vadd.f32 v10, v0;
	v3 =	vmax.f32 v3, v13  }
0x65: {  	s29 =	sshll.u32 s20, $0x7;
	v5 =	vadd.f32 v5, v8;
	v6 =	vmax.f32 v17, v11;
	v2 =	vadd.f32 v3, v2  }
0x66: {  	s22 =	sand.u32 $0x3FFFFF80, s29;
	v1 =	vadd.f32 v1, v4;
	v0 =	vadd.f32 v6, v0;
	v6 =	vmax.f32 v9, v15  }
0x67: {  	s23 =	smul.u32 $0x640, s20;
	v3 =	vmax.f32 v7, v12;
	v4 =	vadd.f32 v6, v5;
	[tilespmem:s22+$0xC810] =	vst v2  }
0x68: {  	[tilespmem:s22+$0xC800] =	vst v0;
	v0 =	vadd.f32 v3, v1  }
0x69: {  	s23 =	sshra.s32 s23, $0x2;
	[tilespmem:s22+$0xC820] =	vst v4  }
0x6a: {  	s30 =	sadd.s32 $0x190, s23;
	[tilespmem:s22+$0xC830] =	vst v0  }
0x6b: {  	[tilespmem:s9], [sflag:$0x1] =	stream.indirect.gather [hbm4b:s3+s8], $0x40, s30, s8, $0xb8;
	[tilespmem:$0xE800] =	vst v63  }
0x6c: {  	s31 =	sadd.s32 $0x1F8, s23  }
0x6d: {  	[tilespmem:s11], [sflag:$0x1] =	stream.indirect.gather [hbm4b:s3+s10], $0x40, s31, s10, $0xb8;
	[tilespmem:$0xE800] =	vst v63  }
0x6e: {  	_ =	swait.ge [sflag:s15], $0x3200  }
0x6f: {  	[sflag:s15] =	ssyncset.done $0x0  }
0x70: {  	s22 =	simm.s32 $0x0;
	[sflag:s15] =	ssyncadd.s32 $0xFFFFCE00  }
0x71: {  	v0 =	vld [tilespmem:s22+$0x9690]  }
0x72: {  	v1 =	vld [tilespmem:s22+$0x96B0]  }
0x73: {  	v2 =	vld [tilespmem:s22+$0x9670]  }
0x74: {  	v3 =	vld [tilespmem:s22+$0x9680]  }
0x75: {  	v4 =	vld [tilespmem:s22+$0x9630]  }
0x76: {  	v5 =	vld [tilespmem:s22+$0x9620]  }
0x77: {  	v6 =	vld [tilespmem:s22+$0x9650]  }
0x78: {  	v7 =	vld [tilespmem:s22+$0x9610]  }
0x79: {  	v8 =	vld [tilespmem:s22+$0x9600]  }
0x7a: {  	v10 =	vld [tilespmem:s22+$0x96F0];
	v9 =	vmul.f32 $9.999999770e-03, v4;
	v11 =	vmul.f32 $9.999999770e-03, v3  }
0x7b: {  	v16 =	vld [tilespmem:s22+$0x9660];
	v12 =	vmul.f32 $9.999999770e-03, v5;
	v15 =	vmul.f32 $9.999999770e-03, v2  }
0x7c: {  	v14 =	vimm.f32 $0.0e+00;
	v13 =	vld [tilespmem:s22+$0x9640];
	v17 =	vmul.f32 $9.999999770e-03, v1;
	v18 =	vmul.f32 $9.999999770e-03, v0  }
0x7d: {  	v21 =	vld [tilespmem:s22+$0x96E0];
	v20 =	vmul.f32 $9.999999770e-03, v7;
	v4 =	vmax.f32 v4, v9;
	v9 =	vmul.f32 $9.999999770e-03, v6  }
0x7e: {  	v19 =	vld [tilespmem:s22+$0x96A0];
	v2 =	vmax.f32 v2, v15;
	v15 =	vmul.f32 $9.999999770e-03, v8;
	v1 =	vmax.f32 v1, v17  }
0x7f: {  	v17 =	vld [tilespmem:s22+$0x96C0];
	v18 =	vmax.f32 v0, v18;
	v5 =	vmax.f32 v5, v12;
	v7 =	vmax.f32 v7, v20  }
0x80: {  	v22 =	vld [tilespmem:s22+$0x9710];
	v12 =	vmul.f32 $9.999999770e-03, v16;
	v3 =	vmax.f32 v3, v11;
	v4 =	vadd.f32 v4, v14  }
0x81: {  	v20 =	vld [tilespmem:s22+$0x96D0];
	v5 =	vadd.f32 v5, v14;
	v7 =	vadd.f32 v7, v14;
	v0 =	vmax.f32 v8, v15  }
0x82: {  	v6 =	vmax.f32 v6, v9;
	v8 =	vld [tilespmem:s22+$0x9730];
	v12 =	vmax.f32 v16, v12;
	v16 =	vmul.f32 $9.999999770e-03, v21  }
0x83: {  	v11 =	vld [tilespmem:s22+$0x9770];
	v9 =	vadd.f32 v0, v14;
	v2 =	vadd.f32 v2, v4;
	v4 =	vmul.f32 $9.999999770e-03, v10  }
0x84: {  	v0 =	vld [tilespmem:s22+$0x9700];
	v23 =	vadd.f32 v12, v5;
	v6 =	vadd.f32 v6, v7;
	v15 =	vmul.f32 $9.999999770e-03, v17  }
0x85: {  	v14 =	vld [tilespmem:s22+$0x9720];
	v4 =	vmax.f32 v10, v4;
	v10 =	vmul.f32 $9.999999770e-03, v13;
	v5 =	vadd.f32 v1, v2  }
0x86: {  	v1 =	vld [tilespmem:s22+$0x97B0];
	v7 =	vmul.f32 $9.999999770e-03, v20;
	v18 =	vadd.f32 v18, v6;
	v2 =	vmax.f32 v17, v15  }
0x87: {  	v10 =	vmax.f32 v13, v10;
	v12 =	vmul.f32 $9.999999770e-03, v8;
	v13 =	vmax.f32 v21, v16;
	v15 =	vld [tilespmem:s22+$0x9750]  }
0x88: {  	v4 =	vadd.f32 v4, v5;
	v5 =	vmul.f32 $9.999999770e-03, v11;
	v9 =	vadd.f32 v10, v9;
	v10 =	vld [tilespmem:s22+$0x9760]  }
0x89: {  	v16 =	vmul.f32 $9.999999770e-03, v19;
	v7 =	vmax.f32 v20, v7;
	v12 =	vmax.f32 v8, v12;
	v8 =	vld [tilespmem:s22+$0x9790]  }
0x8a: {  	v17 =	vmul.f32 $9.999999770e-03, v22;
	v7 =	vadd.f32 v7, v18;
	v11 =	vmax.f32 v11, v5;
	v5 =	vld [tilespmem:s22+$0x97A0]  }
0x8b: {  	v4 =	vadd.f32 v12, v4;
	v6 =	vadd.f32 v3, v9;
	v3 =	vld [tilespmem:s22+$0x97D0]  }
0x8c: {  	v9 =	vmax.f32 v19, v16;
	v12 =	vld [tilespmem:s22+$0x9740];
	v16 =	vmax.f32 v22, v17;
	v18 =	vmul.f32 $9.999999770e-03, v15  }
0x8d: {  	v19 =	vmul.f32 $9.999999770e-03, v14;
	v4 =	vadd.f32 v11, v4;
	v11 =	vadd.f32 v9, v23;
	v9 =	vld [tilespmem:s22+$0x97E0]  }
0x8e: {  	v16 =	vadd.f32 v16, v7;
	v7 =	vld [tilespmem:s22+$0x97F0];
	v17 =	vmax.f32 v15, v18;
	v18 =	vmul.f32 $9.999999770e-03, v10  }
0x8f: {  	s23 =	simm.s32 $0x800;
	v14 =	vmax.f32 v14, v19;
	v13 =	vadd.f32 v13, v11;
	v11 =	vld [tilespmem:s22+$0x9780];
	v15 =	vmul.f32 $9.999999770e-03, v8  }
.LBB2_5:
0x90: {  	p0 =	sne.s32 s23, $0xC000;
	v16 =	vadd.f32 v17, v16;
	v10 =	vmax.f32 v10, v18;
	v17 =	vmul.f32 $9.999999770e-03, v5;
	v18 =	vld [tilespmem:s22+$0x97C0];
	s22 =	sshra.s32 s23, $0x2;
	s23 =	sadd.s32 $0x800, s23  }
0x91: {  	v19 =	vld [tilespmem:s22+$0x9690];
	v13 =	vadd.f32 v14, v13;
	v14 =	vmul.f32 $9.999999770e-03, v12;
	v8 =	vmax.f32 v8, v15  }
0x92: {  	v15 =	vld [tilespmem:s22+$0x96B0];
	v8 =	vadd.f32 v8, v16;
	v16 =	vmul.f32 $9.999999770e-03, v1;
	v20 =	vmul.f32 $9.999999770e-03, v9  }
0x93: {  	v21 =	vld [tilespmem:s22+$0x9670];
	v12 =	vmax.f32 v12, v14;
	v10 =	vadd.f32 v10, v13;
	v13 =	vmul.f32 $9.999999770e-03, v7  }
0x94: {  	v5 =	vmax.f32 v5, v17;
	v14 =	vld [tilespmem:s22+$0x9680];
	v1 =	vmax.f32 v1, v16;
	v9 =	vmax.f32 v9, v20  }
0x95: {  	v17 =	vmul.f32 $9.999999770e-03, v0;
	v16 =	vld [tilespmem:s22+$0x9630];
	v5 =	vadd.f32 v5, v10;
	v10 =	vmul.f32 $9.999999770e-03, v3  }
0x96: {  	v2 =	vadd.f32 v2, v6;
	v6 =	vmul.f32 $9.999999770e-03, v11;
	v7 =	vmax.f32 v7, v13;
	v20 =	vld [tilespmem:s22+$0x9620]  }
0x97: {  	v0 =	vmax.f32 v0, v17;
	v1 =	vadd.f32 v1, v4;
	v13 =	vld [tilespmem:s22+$0x9650];
	v3 =	vmax.f32 v3, v10  }
0x98: {  	v0 =	vadd.f32 v0, v2;
	v2 =	vmax.f32 v11, v6;
	v5 =	vadd.f32 v9, v5;
	v4 =	vld [tilespmem:s22+$0x9610]  }
0x99: {  	v9 =	vmul.f32 $9.999999770e-03, v18;
	v1 =	vadd.f32 v7, v1;
	v3 =	vadd.f32 v3, v8;
	v6 =	vld [tilespmem:s22+$0x9600]  }
0x9a: {  	v0 =	vadd.f32 v12, v0;
	v8 =	vmul.f32 $9.999999770e-03, v14;
	v7 =	vmul.f32 $9.999999770e-03, v16;
	v10 =	vld [tilespmem:s22+$0x96F0]  }
0x9b: {  	v17 =	vmul.f32 $9.999999770e-03, v21;
	v9 =	vmax.f32 v18, v9;
	v11 =	vmul.f32 $9.999999770e-03, v20;
	v12 =	vld [tilespmem:s22+$0x9640]  }
0x9c: {  	v18 =	vmul.f32 $9.999999770e-03, v15;
	v0 =	vadd.f32 v2, v0;
	v7 =	vmax.f32 v16, v7;
	v16 =	vld [tilespmem:s22+$0x9660]  }
0x9d: {  	v17 =	vmax.f32 v21, v17;
	v21 =	vmul.f32 $9.999999770e-03, v19;
	v2 =	vmul.f32 $9.999999770e-03, v13;
	v22 =	vld [tilespmem:s22+$0x96A0]  }
0x9e: {  	v15 =	vmax.f32 v15, v18;
	v0 =	vadd.f32 v9, v0;
	v23 =	vmul.f32 $9.999999770e-03, v6;
	v18 =	vld [tilespmem:s22+$0x96C0]  }
0x9f: {  	v9 =	vmul.f32 $9.999999770e-03, v4;
	v1 =	vadd.f32 v7, v1;
	v7 =	vmax.f32 v19, v21;
	v19 =	vld [tilespmem:s22+$0x96E0]  }
0xa0: {  	v11 =	vmax.f32 v20, v11;
	v13 =	vmax.f32 v13, v2;
	v6 =	vmax.f32 v6, v23;
	v20 =	vld [tilespmem:s22+$0x9730]  }
0xa1: {  	v1 =	vadd.f32 v17, v1;
	v2 =	vmul.f32 $9.999999770e-03, v10;
	v6 =	vadd.f32 v6, v0;
	v0 =	vld [tilespmem:s22+$0x9700]  }
0xa2: {  	v14 =	vmax.f32 v14, v8;
	v4 =	vmax.f32 v4, v9;
	v9 =	vmul.f32 $9.999999770e-03, v16;
	v17 =	vld [tilespmem:s22+$0x9770]  }
0xa3: {  	v5 =	vadd.f32 v11, v5;
	v10 =	vmax.f32 v10, v2;
	v8 =	vmul.f32 $9.999999770e-03, v18;
	v11 =	vld [tilespmem:s22+$0x96D0]  }
0xa4: {  	v21 =	vmul.f32 $9.999999770e-03, v12;
	v2 =	vmax.f32 v16, v9;
	v9 =	vmul.f32 $9.999999770e-03, v19;
	v16 =	vld [tilespmem:s22+$0x9710]  }
0xa5: {  	v23 =	vadd.f32 v2, v5;
	v5 =	vadd.f32 v15, v1;
	v2 =	vmax.f32 v18, v8;
	v1 =	vld [tilespmem:s22+$0x97B0]  }
0xa6: {  	v3 =	vadd.f32 v4, v3;
	v4 =	vmax.f32 v12, v21;
	v8 =	vmul.f32 $9.999999770e-03, v20;
	v15 =	vld [tilespmem:s22+$0x9720]  }
0xa7: {  	v19 =	vmax.f32 v19, v9;
	v5 =	vadd.f32 v10, v5;
	v18 =	vld [tilespmem:s22+$0x9750];
	v9 =	vmul.f32 $9.999999770e-03, v17  }
0xa8: {  	v3 =	vadd.f32 v13, v3;
	v4 =	vadd.f32 v4, v6;
	v12 =	vmul.f32 $9.999999770e-03, v11;
	v10 =	vld [tilespmem:s22+$0x9760]  }
0xa9: {  	v13 =	vmul.f32 $9.999999770e-03, v22;
	v6 =	vmax.f32 v20, v8;
	v21 =	vmul.f32 $9.999999770e-03, v16;
	v8 =	vld [tilespmem:s22+$0x9790]  }
0xaa: {  	v7 =	vadd.f32 v7, v3;
	v20 =	vadd.f32 v6, v5;
	v9 =	vmax.f32 v17, v9;
	v5 =	vld [tilespmem:s22+$0x97A0]  }
.Ltmp1:
0xab: {  	v13 =	vmax.f32 v22, v13;
	v6 =	vadd.f32 v14, v4;
	v4 =	vmax.f32 v11, v12;
	v3 =	vld [tilespmem:s22+$0x97D0];
	(pc) =	sbr.rel @p0 .LBB2_5-.Ltmp1, $4  }
0xac: {  	v7 =	vadd.f32 v4, v7;
	v4 =	vadd.f32 v9, v20;
	v12 =	vld [tilespmem:s22+$0x9740];
	v11 =	vmul.f32 $9.999999770e-03, v18  }
0xad: {  	v13 =	vadd.f32 v13, v23;
	v14 =	vmax.f32 v16, v21;
	v20 =	vmul.f32 $9.999999770e-03, v15;
	v9 =	vld [tilespmem:s22+$0x97E0]  }
0xae: {  	v16 =	vadd.f32 v14, v7;
	v17 =	vmax.f32 v18, v11;
	v18 =	vmul.f32 $9.999999770e-03, v10;
	v7 =	vld [tilespmem:s22+$0x97F0]  }
0xaf: {  	v13 =	vadd.f32 v19, v13;
	v14 =	vmax.f32 v15, v20;
	v15 =	vmul.f32 $9.999999770e-03, v8;
	v11 =	vld [tilespmem:s22+$0x9780]  }
0xb0: {  	v19 =	vmul.f32 $9.999999770e-03, v0  }
0xb1: {  	v16 =	vadd.f32 v17, v16;
	v10 =	vmax.f32 v10, v18;
	v47 =	vmul.f32 $9.999999770e-03, v5  }
0xb2: {  	v2 =	vadd.f32 v2, v6;
	v52 =	vmul.f32 $9.999999770e-03, v1;
	v58 =	vmul.f32 $9.999999770e-03, v3  }
0xb3: {  	v46 =	vld [tilespmem:s22+$0x97C0];
	v48 =	vmul.f32 $9.999999770e-03, v12;
	v13 =	vadd.f32 v14, v13;
	v8 =	vmax.f32 v8, v15  }
0xb4: {  	v0 =	vmax.f32 v0, v19;
	v49 =	vadd.f32 v8, v16;
	v53 =	vmul.f32 $9.999999770e-03, v9  }
0xb5: {  	v5 =	vmax.f32 v5, v47;
	v1 =	vmax.f32 v1, v52;
	v3 =	vmax.f32 v3, v58  }
0xb6: {  	v0 =	vadd.f32 v0, v2;
	v50 =	vmax.f32 v12, v48;
	v54 =	vadd.f32 v10, v13  }
0xb7: {  	v57 =	vmul.f32 $9.999999770e-03, v7;
	v1 =	vadd.f32 v1, v4;
	v51 =	vmul.f32 $9.999999770e-03, v11  }
0xb8: {  	s20 =	sadd.s32 $0x1, s20;
	v2 =	vadd.f32 v3, v49;
	v0 =	vadd.f32 v50, v0;
	v56 =	vmul.f32 $9.999999770e-03, v46  }
0xb9: {  	s21 =	sshll.u32 s21, $0x6;
	p0 =	sne.s32 s20, $0x3F;
	v5 =	vadd.f32 v5, v54;
	v61 =	vmax.f32 v7, v57;
	v55 =	vmax.f32 v11, v51  }
.Ltmp2:
0xba: {  	s21 =	sand.u32 $0x3FFFFFC0, s21;
	v60 =	vmax.f32 v9, v53;
	v63 =	vadd.f32 v61, v1;
	v0 =	vadd.f32 v55, v0;
	(pc) =	sbr.rel @p0 .LBB2_2-.Ltmp2, $4  }
0xbb: {  	[tilespmem:s21+$0xC810] =	vst v2;
	v59 =	vmax.f32 v46, v56;
	v62 =	vadd.f32 v60, v5  }
0xbc: {  	[tilespmem:s21+$0xC830] =	vst v63;
	v0 =	vadd.f32 v59, v0  }
0xbd: {  	[tilespmem:s21+$0xC820] =	vst v62  }
0xbe: {  	[tilespmem:s21+$0xC800] =	vst v0  }
0xbf: {  	[tilespmem:s12], [sflag:$0x2] =	stream.indirect.gather [hbm4b:s3+s8], $0x40, s16, s8, $0xb8;
	[tilespmem:$0xE800] =	vst v63  }
0xc0: {  	_ = 	snop  }
0xc1: {  	[tilespmem:s13], [sflag:$0x2] =	stream.indirect.gather [hbm4b:s3+s10], $0x40, s17, s10, $0xb8;
	[tilespmem:$0xE800] =	vst v63  }
0xc2: {  	_ =	swait.ge [sflag:s14], $0x3200  }
0xc3: {  	[sflag:s14] =	ssyncset.done $0x0  }
0xc4: {  	s20 =	simm.s32 $0x0;
	[sflag:s14] =	ssyncadd.s32 $0xFFFFCE00  }
0xc5: {  	v0 =	vld [tilespmem:s20+$0x6490]  }
0xc6: {  	v1 =	vld [tilespmem:s20+$0x64B0]  }
0xc7: {  	v2 =	vld [tilespmem:s20+$0x6470]  }
0xc8: {  	v3 =	vld [tilespmem:s20+$0x6480]  }
0xc9: {  	v4 =	vld [tilespmem:s20+$0x6430]  }
0xca: {  	v5 =	vld [tilespmem:s20+$0x6420]  }
0xcb: {  	v6 =	vld [tilespmem:s20+$0x6450]  }
0xcc: {  	v7 =	vld [tilespmem:s20+$0x6410]  }
0xcd: {  	v8 =	vld [tilespmem:s20+$0x6400]  }
0xce: {  	v10 =	vld [tilespmem:s20+$0x64F0];
	v9 =	vmul.f32 $9.999999770e-03, v4;
	v11 =	vmul.f32 $9.999999770e-03, v3  }
0xcf: {  	v16 =	vld [tilespmem:s20+$0x6460];
	v12 =	vmul.f32 $9.999999770e-03, v5;
	v15 =	vmul.f32 $9.999999770e-03, v2  }
0xd0: {  	v14 =	vimm.f32 $0.0e+00;
	v13 =	vld [tilespmem:s20+$0x6440];
	v17 =	vmul.f32 $9.999999770e-03, v1;
	v18 =	vmul.f32 $9.999999770e-03, v0  }
0xd1: {  	v21 =	vld [tilespmem:s20+$0x64E0];
	v20 =	vmul.f32 $9.999999770e-03, v7;
	v4 =	vmax.f32 v4, v9;
	v9 =	vmul.f32 $9.999999770e-03, v6  }
0xd2: {  	v19 =	vld [tilespmem:s20+$0x64A0];
	v2 =	vmax.f32 v2, v15;
	v15 =	vmul.f32 $9.999999770e-03, v8;
	v1 =	vmax.f32 v1, v17  }
0xd3: {  	v17 =	vld [tilespmem:s20+$0x64C0];
	v18 =	vmax.f32 v0, v18;
	v5 =	vmax.f32 v5, v12;
	v7 =	vmax.f32 v7, v20  }
0xd4: {  	v22 =	vld [tilespmem:s20+$0x6510];
	v12 =	vmul.f32 $9.999999770e-03, v16;
	v3 =	vmax.f32 v3, v11;
	v4 =	vadd.f32 v4, v14  }
0xd5: {  	v20 =	vld [tilespmem:s20+$0x64D0];
	v5 =	vadd.f32 v5, v14;
	v7 =	vadd.f32 v7, v14;
	v0 =	vmax.f32 v8, v15  }
0xd6: {  	v6 =	vmax.f32 v6, v9;
	v8 =	vld [tilespmem:s20+$0x6530];
	v12 =	vmax.f32 v16, v12;
	v16 =	vmul.f32 $9.999999770e-03, v21  }
0xd7: {  	v11 =	vld [tilespmem:s20+$0x6570];
	v9 =	vadd.f32 v0, v14;
	v2 =	vadd.f32 v2, v4;
	v4 =	vmul.f32 $9.999999770e-03, v10  }
0xd8: {  	v0 =	vld [tilespmem:s20+$0x6500];
	v23 =	vadd.f32 v12, v5;
	v6 =	vadd.f32 v6, v7;
	v15 =	vmul.f32 $9.999999770e-03, v17  }
0xd9: {  	v14 =	vld [tilespmem:s20+$0x6520];
	v4 =	vmax.f32 v10, v4;
	v10 =	vmul.f32 $9.999999770e-03, v13;
	v5 =	vadd.f32 v1, v2  }
0xda: {  	v1 =	vld [tilespmem:s20+$0x65B0];
	v7 =	vmul.f32 $9.999999770e-03, v20;
	v18 =	vadd.f32 v18, v6;
	v2 =	vmax.f32 v17, v15  }
0xdb: {  	v10 =	vmax.f32 v13, v10;
	v12 =	vmul.f32 $9.999999770e-03, v8;
	v13 =	vmax.f32 v21, v16;
	v15 =	vld [tilespmem:s20+$0x6550]  }
0xdc: {  	v4 =	vadd.f32 v4, v5;
	v5 =	vmul.f32 $9.999999770e-03, v11;
	v9 =	vadd.f32 v10, v9;
	v10 =	vld [tilespmem:s20+$0x6560]  }
0xdd: {  	v16 =	vmul.f32 $9.999999770e-03, v19;
	v7 =	vmax.f32 v20, v7;
	v12 =	vmax.f32 v8, v12;
	v8 =	vld [tilespmem:s20+$0x6590]  }
0xde: {  	v17 =	vmul.f32 $9.999999770e-03, v22;
	v7 =	vadd.f32 v7, v18;
	v11 =	vmax.f32 v11, v5;
	v5 =	vld [tilespmem:s20+$0x65A0]  }
0xdf: {  	v4 =	vadd.f32 v12, v4;
	v6 =	vadd.f32 v3, v9;
	v3 =	vld [tilespmem:s20+$0x65D0]  }
0xe0: {  	v9 =	vmax.f32 v19, v16;
	v12 =	vld [tilespmem:s20+$0x6540];
	v16 =	vmax.f32 v22, v17;
	v18 =	vmul.f32 $9.999999770e-03, v15  }
0xe1: {  	v19 =	vmul.f32 $9.999999770e-03, v14;
	v4 =	vadd.f32 v11, v4;
	v11 =	vadd.f32 v9, v23;
	v9 =	vld [tilespmem:s20+$0x65E0]  }
0xe2: {  	v16 =	vadd.f32 v16, v7;
	v7 =	vld [tilespmem:s20+$0x65F0];
	v17 =	vmax.f32 v15, v18;
	v18 =	vmul.f32 $9.999999770e-03, v10  }
0xe3: {  	s21 =	simm.s32 $0x800;
	v14 =	vmax.f32 v14, v19;
	v13 =	vadd.f32 v13, v11;
	v11 =	vld [tilespmem:s20+$0x6580];
	v15 =	vmul.f32 $9.999999770e-03, v8  }
.LBB2_8:
0xe4: {  	p0 =	sne.s32 s21, $0xC000;
	v16 =	vadd.f32 v17, v16;
	v10 =	vmax.f32 v10, v18;
	v17 =	vmul.f32 $9.999999770e-03, v5;
	v18 =	vld [tilespmem:s20+$0x65C0];
	s20 =	sshra.s32 s21, $0x2;
	s21 =	sadd.s32 $0x800, s21  }
0xe5: {  	v19 =	vld [tilespmem:s20+$0x6490];
	v13 =	vadd.f32 v14, v13;
	v14 =	vmul.f32 $9.999999770e-03, v12;
	v8 =	vmax.f32 v8, v15  }
0xe6: {  	v15 =	vld [tilespmem:s20+$0x64B0];
	v8 =	vadd.f32 v8, v16;
	v16 =	vmul.f32 $9.999999770e-03, v1;
	v20 =	vmul.f32 $9.999999770e-03, v9  }
0xe7: {  	v21 =	vld [tilespmem:s20+$0x6470];
	v12 =	vmax.f32 v12, v14;
	v10 =	vadd.f32 v10, v13;
	v13 =	vmul.f32 $9.999999770e-03, v7  }
0xe8: {  	v5 =	vmax.f32 v5, v17;
	v14 =	vld [tilespmem:s20+$0x6480];
	v1 =	vmax.f32 v1, v16;
	v9 =	vmax.f32 v9, v20  }
0xe9: {  	v17 =	vmul.f32 $9.999999770e-03, v0;
	v16 =	vld [tilespmem:s20+$0x6430];
	v5 =	vadd.f32 v5, v10;
	v10 =	vmul.f32 $9.999999770e-03, v3  }
0xea: {  	v2 =	vadd.f32 v2, v6;
	v6 =	vmul.f32 $9.999999770e-03, v11;
	v7 =	vmax.f32 v7, v13;
	v20 =	vld [tilespmem:s20+$0x6420]  }
0xeb: {  	v0 =	vmax.f32 v0, v17;
	v1 =	vadd.f32 v1, v4;
	v13 =	vld [tilespmem:s20+$0x6450];
	v3 =	vmax.f32 v3, v10  }
0xec: {  	v0 =	vadd.f32 v0, v2;
	v2 =	vmax.f32 v11, v6;
	v5 =	vadd.f32 v9, v5;
	v4 =	vld [tilespmem:s20+$0x6410]  }
0xed: {  	v9 =	vmul.f32 $9.999999770e-03, v18;
	v1 =	vadd.f32 v7, v1;
	v3 =	vadd.f32 v3, v8;
	v6 =	vld [tilespmem:s20+$0x6400]  }
0xee: {  	v0 =	vadd.f32 v12, v0;
	v8 =	vmul.f32 $9.999999770e-03, v14;
	v7 =	vmul.f32 $9.999999770e-03, v16;
	v10 =	vld [tilespmem:s20+$0x64F0]  }
0xef: {  	v17 =	vmul.f32 $9.999999770e-03, v21;
	v9 =	vmax.f32 v18, v9;
	v11 =	vmul.f32 $9.999999770e-03, v20;
	v12 =	vld [tilespmem:s20+$0x6440]  }
0xf0: {  	v18 =	vmul.f32 $9.999999770e-03, v15;
	v0 =	vadd.f32 v2, v0;
	v7 =	vmax.f32 v16, v7;
	v16 =	vld [tilespmem:s20+$0x6460]  }
0xf1: {  	v17 =	vmax.f32 v21, v17;
	v21 =	vmul.f32 $9.999999770e-03, v19;
	v2 =	vmul.f32 $9.999999770e-03, v13;
	v22 =	vld [tilespmem:s20+$0x64A0]  }
0xf2: {  	v15 =	vmax.f32 v15, v18;
	v0 =	vadd.f32 v9, v0;
	v23 =	vmul.f32 $9.999999770e-03, v6;
	v18 =	vld [tilespmem:s20+$0x64C0]  }
0xf3: {  	v9 =	vmul.f32 $9.999999770e-03, v4;
	v1 =	vadd.f32 v7, v1;
	v7 =	vmax.f32 v19, v21;
	v19 =	vld [tilespmem:s20+$0x64E0]  }
0xf4: {  	v11 =	vmax.f32 v20, v11;
	v13 =	vmax.f32 v13, v2;
	v6 =	vmax.f32 v6, v23;
	v20 =	vld [tilespmem:s20+$0x6530]  }
0xf5: {  	v1 =	vadd.f32 v17, v1;
	v2 =	vmul.f32 $9.999999770e-03, v10;
	v6 =	vadd.f32 v6, v0;
	v0 =	vld [tilespmem:s20+$0x6500]  }
0xf6: {  	v14 =	vmax.f32 v14, v8;
	v4 =	vmax.f32 v4, v9;
	v9 =	vmul.f32 $9.999999770e-03, v16;
	v17 =	vld [tilespmem:s20+$0x6570]  }
0xf7: {  	v5 =	vadd.f32 v11, v5;
	v10 =	vmax.f32 v10, v2;
	v8 =	vmul.f32 $9.999999770e-03, v18;
	v11 =	vld [tilespmem:s20+$0x64D0]  }
0xf8: {  	v21 =	vmul.f32 $9.999999770e-03, v12;
	v2 =	vmax.f32 v16, v9;
	v9 =	vmul.f32 $9.999999770e-03, v19;
	v16 =	vld [tilespmem:s20+$0x6510]  }
0xf9: {  	v23 =	vadd.f32 v2, v5;
	v5 =	vadd.f32 v15, v1;
	v2 =	vmax.f32 v18, v8;
	v1 =	vld [tilespmem:s20+$0x65B0]  }
0xfa: {  	v3 =	vadd.f32 v4, v3;
	v4 =	vmax.f32 v12, v21;
	v8 =	vmul.f32 $9.999999770e-03, v20;
	v15 =	vld [tilespmem:s20+$0x6520]  }
0xfb: {  	v19 =	vmax.f32 v19, v9;
	v5 =	vadd.f32 v10, v5;
	v18 =	vld [tilespmem:s20+$0x6550];
	v9 =	vmul.f32 $9.999999770e-03, v17  }
0xfc: {  	v3 =	vadd.f32 v13, v3;
	v4 =	vadd.f32 v4, v6;
	v12 =	vmul.f32 $9.999999770e-03, v11;
	v10 =	vld [tilespmem:s20+$0x6560]  }
0xfd: {  	v13 =	vmul.f32 $9.999999770e-03, v22;
	v6 =	vmax.f32 v20, v8;
	v21 =	vmul.f32 $9.999999770e-03, v16;
	v8 =	vld [tilespmem:s20+$0x6590]  }
0xfe: {  	v7 =	vadd.f32 v7, v3;
	v20 =	vadd.f32 v6, v5;
	v9 =	vmax.f32 v17, v9;
	v5 =	vld [tilespmem:s20+$0x65A0]  }
.Ltmp3:
0xff: {  	v13 =	vmax.f32 v22, v13;
	v6 =	vadd.f32 v14, v4;
	v4 =	vmax.f32 v11, v12;
	v3 =	vld [tilespmem:s20+$0x65D0];
	(pc) =	sbr.rel @p0 .LBB2_8-.Ltmp3, $4  }
0x100: {  	v7 =	vadd.f32 v4, v7;
	v4 =	vadd.f32 v9, v20;
	v12 =	vld [tilespmem:s20+$0x6540];
	v11 =	vmul.f32 $9.999999770e-03, v18  }
0x101: {  	v13 =	vadd.f32 v13, v23;
	v14 =	vmax.f32 v16, v21;
	v20 =	vmul.f32 $9.999999770e-03, v15;
	v9 =	vld [tilespmem:s20+$0x65E0]  }
0x102: {  	v16 =	vadd.f32 v14, v7;
	v17 =	vmax.f32 v18, v11;
	v18 =	vmul.f32 $9.999999770e-03, v10;
	v7 =	vld [tilespmem:s20+$0x65F0]  }
0x103: {  	v13 =	vadd.f32 v19, v13;
	v14 =	vmax.f32 v15, v20;
	v15 =	vmul.f32 $9.999999770e-03, v8;
	v11 =	vld [tilespmem:s20+$0x6580]  }
0x104: {  	v19 =	vmul.f32 $9.999999770e-03, v0  }
0x105: {  	v16 =	vadd.f32 v17, v16;
	v10 =	vmax.f32 v10, v18;
	v2 =	vadd.f32 v2, v6  }
0x106: {  	v17 =	vld [tilespmem:s20+$0x65C0];
	v6 =	vmul.f32 $9.999999770e-03, v5;
	v18 =	vmul.f32 $9.999999770e-03, v12;
	v13 =	vadd.f32 v14, v13  }
0x107: {  	v8 =	vmax.f32 v8, v15;
	v14 =	vmul.f32 $9.999999770e-03, v1;
	v0 =	vmax.f32 v0, v19  }
0x108: {  	v15 =	vmul.f32 $9.999999770e-03, v9;
	v5 =	vmax.f32 v5, v6;
	v0 =	vadd.f32 v0, v2  }
0x109: {  	v2 =	vadd.f32 v8, v16;
	v8 =	vmax.f32 v12, v18;
	v12 =	vmul.f32 $9.999999770e-03, v11  }
0x10a: {  	v0 =	vadd.f32 v8, v0;
	v8 =	vadd.f32 v10, v13;
	v13 =	vmul.f32 $9.999999770e-03, v3  }
0x10b: {  	v1 =	vmax.f32 v1, v14;
	v10 =	vmax.f32 v11, v12;
	v11 =	vmul.f32 $9.999999770e-03, v17  }
0x10c: {  	v12 =	vmul.f32 $9.999999770e-03, v7;
	v0 =	vadd.f32 v10, v0;
	v3 =	vmax.f32 v3, v13  }
0x10d: {  	v5 =	vadd.f32 v5, v8;
	v6 =	vmax.f32 v17, v11;
	v2 =	vadd.f32 v3, v2  }
0x10e: {  	v1 =	vadd.f32 v1, v4;
	v0 =	vadd.f32 v6, v0;
	v6 =	vmax.f32 v9, v15  }
0x10f: {  	v3 =	vmax.f32 v7, v12;
	v4 =	vadd.f32 v6, v5;
	[tilespmem:$0xE790] =	vst v2  }
0x110: {  	[tilespmem:$0xE780] =	vst v0;
	v0 =	vadd.f32 v3, v1  }
0x111: {  	[tilespmem:$0xE7A0] =	vst v4  }
0x112: {  	[tilespmem:$0xE7B0] =	vst v0  }
0x113: {  	_ =	swait.ge [sflag:s15], $0x3200  }
0x114: {  	[sflag:s15] =	ssyncset.done $0x0  }
0x115: {  	s20 =	simm.s32 $0x0;
	[sflag:s15] =	ssyncadd.s32 $0xFFFFCE00  }
0x116: {  	v0 =	vld [tilespmem:s20+$0x9690]  }
0x117: {  	v1 =	vld [tilespmem:s20+$0x96B0]  }
0x118: {  	v2 =	vld [tilespmem:s20+$0x9670]  }
0x119: {  	v3 =	vld [tilespmem:s20+$0x9680]  }
0x11a: {  	v4 =	vld [tilespmem:s20+$0x9630]  }
0x11b: {  	v5 =	vld [tilespmem:s20+$0x9620]  }
0x11c: {  	v6 =	vld [tilespmem:s20+$0x9650]  }
0x11d: {  	v7 =	vld [tilespmem:s20+$0x9610]  }
0x11e: {  	v8 =	vld [tilespmem:s20+$0x9600]  }
0x11f: {  	v10 =	vld [tilespmem:s20+$0x96F0];
	v9 =	vmul.f32 $9.999999770e-03, v4;
	v11 =	vmul.f32 $9.999999770e-03, v3  }
0x120: {  	v16 =	vld [tilespmem:s20+$0x9660];
	v12 =	vmul.f32 $9.999999770e-03, v5;
	v15 =	vmul.f32 $9.999999770e-03, v2  }
0x121: {  	v14 =	vimm.f32 $0.0e+00;
	v13 =	vld [tilespmem:s20+$0x9640];
	v17 =	vmul.f32 $9.999999770e-03, v1;
	v18 =	vmul.f32 $9.999999770e-03, v0  }
0x122: {  	v21 =	vld [tilespmem:s20+$0x96E0];
	v20 =	vmul.f32 $9.999999770e-03, v7;
	v4 =	vmax.f32 v4, v9;
	v9 =	vmul.f32 $9.999999770e-03, v6  }
0x123: {  	v19 =	vld [tilespmem:s20+$0x96A0];
	v2 =	vmax.f32 v2, v15;
	v15 =	vmul.f32 $9.999999770e-03, v8;
	v1 =	vmax.f32 v1, v17  }
0x124: {  	v17 =	vld [tilespmem:s20+$0x96C0];
	v18 =	vmax.f32 v0, v18;
	v5 =	vmax.f32 v5, v12;
	v7 =	vmax.f32 v7, v20  }
0x125: {  	v22 =	vld [tilespmem:s20+$0x9710];
	v12 =	vmul.f32 $9.999999770e-03, v16;
	v3 =	vmax.f32 v3, v11;
	v4 =	vadd.f32 v4, v14  }
0x126: {  	v20 =	vld [tilespmem:s20+$0x96D0];
	v5 =	vadd.f32 v5, v14;
	v7 =	vadd.f32 v7, v14;
	v0 =	vmax.f32 v8, v15  }
0x127: {  	v6 =	vmax.f32 v6, v9;
	v8 =	vld [tilespmem:s20+$0x9730];
	v12 =	vmax.f32 v16, v12;
	v16 =	vmul.f32 $9.999999770e-03, v21  }
0x128: {  	v11 =	vld [tilespmem:s20+$0x9770];
	v9 =	vadd.f32 v0, v14;
	v2 =	vadd.f32 v2, v4;
	v4 =	vmul.f32 $9.999999770e-03, v10  }
0x129: {  	v0 =	vld [tilespmem:s20+$0x9700];
	v23 =	vadd.f32 v12, v5;
	v6 =	vadd.f32 v6, v7;
	v15 =	vmul.f32 $9.999999770e-03, v17  }
0x12a: {  	v14 =	vld [tilespmem:s20+$0x9720];
	v4 =	vmax.f32 v10, v4;
	v10 =	vmul.f32 $9.999999770e-03, v13;
	v5 =	vadd.f32 v1, v2  }
0x12b: {  	v1 =	vld [tilespmem:s20+$0x97B0];
	v7 =	vmul.f32 $9.999999770e-03, v20;
	v18 =	vadd.f32 v18, v6;
	v2 =	vmax.f32 v17, v15  }
0x12c: {  	v10 =	vmax.f32 v13, v10;
	v12 =	vmul.f32 $9.999999770e-03, v8;
	v13 =	vmax.f32 v21, v16;
	v15 =	vld [tilespmem:s20+$0x9750]  }
0x12d: {  	v4 =	vadd.f32 v4, v5;
	v5 =	vmul.f32 $9.999999770e-03, v11;
	v9 =	vadd.f32 v10, v9;
	v10 =	vld [tilespmem:s20+$0x9760]  }
0x12e: {  	v16 =	vmul.f32 $9.999999770e-03, v19;
	v7 =	vmax.f32 v20, v7;
	v12 =	vmax.f32 v8, v12;
	v8 =	vld [tilespmem:s20+$0x9790]  }
0x12f: {  	v17 =	vmul.f32 $9.999999770e-03, v22;
	v7 =	vadd.f32 v7, v18;
	v11 =	vmax.f32 v11, v5;
	v5 =	vld [tilespmem:s20+$0x97A0]  }
0x130: {  	v4 =	vadd.f32 v12, v4;
	v6 =	vadd.f32 v3, v9;
	v3 =	vld [tilespmem:s20+$0x97D0]  }
0x131: {  	v9 =	vmax.f32 v19, v16;
	v12 =	vld [tilespmem:s20+$0x9740];
	v16 =	vmax.f32 v22, v17;
	v18 =	vmul.f32 $9.999999770e-03, v15  }
0x132: {  	v19 =	vmul.f32 $9.999999770e-03, v14;
	v4 =	vadd.f32 v11, v4;
	v11 =	vadd.f32 v9, v23;
	v9 =	vld [tilespmem:s20+$0x97E0]  }
0x133: {  	v16 =	vadd.f32 v16, v7;
	v7 =	vld [tilespmem:s20+$0x97F0];
	v17 =	vmax.f32 v15, v18;
	v18 =	vmul.f32 $9.999999770e-03, v10  }
0x134: {  	s21 =	simm.s32 $0x800;
	v14 =	vmax.f32 v14, v19;
	v13 =	vadd.f32 v13, v11;
	v11 =	vld [tilespmem:s20+$0x9780];
	v15 =	vmul.f32 $9.999999770e-03, v8  }
.LBB2_10:
0x135: {  	p0 =	sne.s32 s21, $0xC000;
	v16 =	vadd.f32 v17, v16;
	v10 =	vmax.f32 v10, v18;
	v17 =	vmul.f32 $9.999999770e-03, v5;
	v18 =	vld [tilespmem:s20+$0x97C0];
	s20 =	sshra.s32 s21, $0x2;
	s21 =	sadd.s32 $0x800, s21  }
0x136: {  	v19 =	vld [tilespmem:s20+$0x9690];
	v13 =	vadd.f32 v14, v13;
	v14 =	vmul.f32 $9.999999770e-03, v12;
	v8 =	vmax.f32 v8, v15  }
0x137: {  	v15 =	vld [tilespmem:s20+$0x96B0];
	v8 =	vadd.f32 v8, v16;
	v16 =	vmul.f32 $9.999999770e-03, v1;
	v20 =	vmul.f32 $9.999999770e-03, v9  }
0x138: {  	v21 =	vld [tilespmem:s20+$0x9670];
	v12 =	vmax.f32 v12, v14;
	v10 =	vadd.f32 v10, v13;
	v13 =	vmul.f32 $9.999999770e-03, v7  }
0x139: {  	v5 =	vmax.f32 v5, v17;
	v14 =	vld [tilespmem:s20+$0x9680];
	v1 =	vmax.f32 v1, v16;
	v9 =	vmax.f32 v9, v20  }
0x13a: {  	v17 =	vmul.f32 $9.999999770e-03, v0;
	v16 =	vld [tilespmem:s20+$0x9630];
	v5 =	vadd.f32 v5, v10;
	v10 =	vmul.f32 $9.999999770e-03, v3  }
0x13b: {  	v2 =	vadd.f32 v2, v6;
	v6 =	vmul.f32 $9.999999770e-03, v11;
	v7 =	vmax.f32 v7, v13;
	v20 =	vld [tilespmem:s20+$0x9620]  }
0x13c: {  	v0 =	vmax.f32 v0, v17;
	v1 =	vadd.f32 v1, v4;
	v13 =	vld [tilespmem:s20+$0x9650];
	v3 =	vmax.f32 v3, v10  }
0x13d: {  	v0 =	vadd.f32 v0, v2;
	v2 =	vmax.f32 v11, v6;
	v5 =	vadd.f32 v9, v5;
	v4 =	vld [tilespmem:s20+$0x9610]  }
0x13e: {  	v9 =	vmul.f32 $9.999999770e-03, v18;
	v1 =	vadd.f32 v7, v1;
	v3 =	vadd.f32 v3, v8;
	v6 =	vld [tilespmem:s20+$0x9600]  }
0x13f: {  	v0 =	vadd.f32 v12, v0;
	v8 =	vmul.f32 $9.999999770e-03, v14;
	v7 =	vmul.f32 $9.999999770e-03, v16;
	v10 =	vld [tilespmem:s20+$0x96F0]  }
0x140: {  	v17 =	vmul.f32 $9.999999770e-03, v21;
	v9 =	vmax.f32 v18, v9;
	v11 =	vmul.f32 $9.999999770e-03, v20;
	v12 =	vld [tilespmem:s20+$0x9640]  }
0x141: {  	v18 =	vmul.f32 $9.999999770e-03, v15;
	v0 =	vadd.f32 v2, v0;
	v7 =	vmax.f32 v16, v7;
	v16 =	vld [tilespmem:s20+$0x9660]  }
0x142: {  	v17 =	vmax.f32 v21, v17;
	v21 =	vmul.f32 $9.999999770e-03, v19;
	v2 =	vmul.f32 $9.999999770e-03, v13;
	v22 =	vld [tilespmem:s20+$0x96A0]  }
0x143: {  	v15 =	vmax.f32 v15, v18;
	v0 =	vadd.f32 v9, v0;
	v23 =	vmul.f32 $9.999999770e-03, v6;
	v18 =	vld [tilespmem:s20+$0x96C0]  }
0x144: {  	v9 =	vmul.f32 $9.999999770e-03, v4;
	v1 =	vadd.f32 v7, v1;
	v7 =	vmax.f32 v19, v21;
	v19 =	vld [tilespmem:s20+$0x96E0]  }
0x145: {  	v11 =	vmax.f32 v20, v11;
	v13 =	vmax.f32 v13, v2;
	v6 =	vmax.f32 v6, v23;
	v20 =	vld [tilespmem:s20+$0x9730]  }
0x146: {  	v1 =	vadd.f32 v17, v1;
	v2 =	vmul.f32 $9.999999770e-03, v10;
	v6 =	vadd.f32 v6, v0;
	v0 =	vld [tilespmem:s20+$0x9700]  }
0x147: {  	v14 =	vmax.f32 v14, v8;
	v4 =	vmax.f32 v4, v9;
	v9 =	vmul.f32 $9.999999770e-03, v16;
	v17 =	vld [tilespmem:s20+$0x9770]  }
0x148: {  	v5 =	vadd.f32 v11, v5;
	v10 =	vmax.f32 v10, v2;
	v8 =	vmul.f32 $9.999999770e-03, v18;
	v11 =	vld [tilespmem:s20+$0x96D0]  }
0x149: {  	v21 =	vmul.f32 $9.999999770e-03, v12;
	v2 =	vmax.f32 v16, v9;
	v9 =	vmul.f32 $9.999999770e-03, v19;
	v16 =	vld [tilespmem:s20+$0x9710]  }
0x14a: {  	v23 =	vadd.f32 v2, v5;
	v5 =	vadd.f32 v15, v1;
	v2 =	vmax.f32 v18, v8;
	v1 =	vld [tilespmem:s20+$0x97B0]  }
0x14b: {  	v3 =	vadd.f32 v4, v3;
	v4 =	vmax.f32 v12, v21;
	v8 =	vmul.f32 $9.999999770e-03, v20;
	v15 =	vld [tilespmem:s20+$0x9720]  }
0x14c: {  	v19 =	vmax.f32 v19, v9;
	v5 =	vadd.f32 v10, v5;
	v18 =	vld [tilespmem:s20+$0x9750];
	v9 =	vmul.f32 $9.999999770e-03, v17  }
0x14d: {  	v3 =	vadd.f32 v13, v3;
	v4 =	vadd.f32 v4, v6;
	v12 =	vmul.f32 $9.999999770e-03, v11;
	v10 =	vld [tilespmem:s20+$0x9760]  }
0x14e: {  	v13 =	vmul.f32 $9.999999770e-03, v22;
	v6 =	vmax.f32 v20, v8;
	v21 =	vmul.f32 $9.999999770e-03, v16;
	v8 =	vld [tilespmem:s20+$0x9790]  }
0x14f: {  	v7 =	vadd.f32 v7, v3;
	v20 =	vadd.f32 v6, v5;
	v9 =	vmax.f32 v17, v9;
	v5 =	vld [tilespmem:s20+$0x97A0]  }
.Ltmp4:
0x150: {  	v13 =	vmax.f32 v22, v13;
	v6 =	vadd.f32 v14, v4;
	v4 =	vmax.f32 v11, v12;
	v3 =	vld [tilespmem:s20+$0x97D0];
	(pc) =	sbr.rel @p0 .LBB2_10-.Ltmp4, $4  }
0x151: {  	v7 =	vadd.f32 v4, v7;
	v4 =	vadd.f32 v9, v20;
	v12 =	vld [tilespmem:s20+$0x9740];
	v11 =	vmul.f32 $9.999999770e-03, v18  }
0x152: {  	v13 =	vadd.f32 v13, v23;
	v14 =	vmax.f32 v16, v21;
	v20 =	vmul.f32 $9.999999770e-03, v15;
	v9 =	vld [tilespmem:s20+$0x97E0]  }
0x153: {  	v16 =	vadd.f32 v14, v7;
	v17 =	vmax.f32 v18, v11;
	v18 =	vmul.f32 $9.999999770e-03, v10;
	v7 =	vld [tilespmem:s20+$0x97F0]  }
0x154: {  	v13 =	vadd.f32 v19, v13;
	v14 =	vmax.f32 v15, v20;
	v15 =	vmul.f32 $9.999999770e-03, v8;
	v11 =	vld [tilespmem:s20+$0x9780]  }
0x155: {  	v19 =	vmul.f32 $9.999999770e-03, v0  }
0x156: {  	v16 =	vadd.f32 v17, v16;
	v10 =	vmax.f32 v10, v18;
	v47 =	vmul.f32 $9.999999770e-03, v5  }
0x157: {  	v2 =	vadd.f32 v2, v6;
	v52 =	vmul.f32 $9.999999770e-03, v1;
	v58 =	vmul.f32 $9.999999770e-03, v3  }
0x158: {  	v46 =	vld [tilespmem:s20+$0x97C0];
	v48 =	vmul.f32 $9.999999770e-03, v12;
	v13 =	vadd.f32 v14, v13;
	v8 =	vmax.f32 v8, v15  }
0x159: {  	v0 =	vmax.f32 v0, v19;
	v49 =	vadd.f32 v8, v16;
	v53 =	vmul.f32 $9.999999770e-03, v9  }
0x15a: {  	v5 =	vmax.f32 v5, v47;
	v1 =	vmax.f32 v1, v52;
	v3 =	vmax.f32 v3, v58  }
0x15b: {  	v0 =	vadd.f32 v0, v2;
	v50 =	vmax.f32 v12, v48;
	v54 =	vadd.f32 v10, v13  }
0x15c: {  	v57 =	vmul.f32 $9.999999770e-03, v7;
	v1 =	vadd.f32 v1, v4;
	v51 =	vmul.f32 $9.999999770e-03, v11  }
0x15d: {  	v2 =	vadd.f32 v3, v49;
	v0 =	vadd.f32 v50, v0;
	v56 =	vmul.f32 $9.999999770e-03, v46  }
0x15e: {  	v5 =	vadd.f32 v5, v54;
	v61 =	vmax.f32 v7, v57;
	v55 =	vmax.f32 v11, v51  }
0x15f: {  	v60 =	vmax.f32 v9, v53;
	v63 =	vadd.f32 v61, v1;
	v0 =	vadd.f32 v55, v0  }
0x160: {  	[tilespmem:$0xE7D0] =	vst v2;
	v59 =	vmax.f32 v46, v56;
	v62 =	vadd.f32 v60, v5  }
0x161: {  	s19 =	sadd.s32 $0x1, s19;
	[tilespmem:$0xE7F0] =	vst v63;
	v0 =	vadd.f32 v59, v0  }
0x162: {  	p0 =	sne.s32 s19, s6;
	[tilespmem:$0xE7E0] =	vst v62  }
.Ltmp5:
0x163: {  	[tilespmem:$0xE7C0] =	vst v0;
	(pc) =	sbr.rel @p0 .LBB2_1-.Ltmp5, $4  }
0x164: {  	[hbm4b:s5+s2] =	stream.linear.scatter [tilespmem:s18], [sflag:$0x3], $0x2000, $0x38;
	[tilespmem:$0xE800] =	vst v63  }
0x165: {  	_ =	swait.ge [sflag:s7], $0x2000  }
0x166: {  	[sflag:s7] =	ssyncset.done $0x0  }
0x167: {  	[sflag:s7] =	ssyncadd.s32 $0xFFFFE000  }
0x168: {  	_ =	sfence.sel $0x180000  }
0x169: {  	[bflag:$0x0] =	sbarrier.arrive $0xFFFF  }
0x16a: {  	p0 =	sne.s32 s0, $0x0;
	_ =	strace $0x90000047  }
0x16b: {  	s0 =	sadd.s32 @!p0 $0x100000, s1;
	[bflag:$0x2] =	sbarrier.arrive $0xFFFF  }
0x16c: {  	[sflag:s0] =	ssyncadd.tile.s32 @!p0 $0x1;
	_ =	shalt  }
.Lfunc_end2:
_tile_overlayer_lowered:
.L_overlay_start_2:
0x16d: {  	(tag) =	ssettag $0x2  }
0x16e: {  	s0 =	rddreg [dreg:$0x0];
	s2 =	stileid.u32  }
0x16f: {  	s1 =	rddreg [dreg:$0x1];
	p0 =	sne.s32 s2, $0x0  }
0x170: {  	s3 =	rddreg [dreg:$0x2];
	[bflag:$0x3] =	sbarrier.arrive $0xFFFF;
	s2 =	simm.s32 @!p0 $0x1C03  }
0x171: {  	[timem:s3], [sflag:s2] =	dma.local @!p0 [hbm:s0], s1  }
0x172: {  	s0 =	simm.s32 @!p0 $0x3  }
0x173: {  	_ =	swait.ge @!p0 [sflag:s0], s1  }
0x174: {  	s1 =	ssub.s32 @!p0 $0x0, s1;
	[sflag:s0] =	ssyncset.done @!p0 $0x0  }
0x175: {  	[sflag:s0] =	ssyncadd.s32 @!p0 s1  }
0x176: {  	[bflag:$0x3] =	sbarrier.arrive $0xFFFF  }
0x177: {  	_ =	shalt  }

</sc_bundles>
